<compile_context>
chip_gen: v7x
topology: tpu7x:2x2x1
jax: 0.10.2.dev20260603
libtpu: 0.0.44.dev20260713+nightly
codegen_flags: <defaults>
</compile_context>

<pallas_src>
import functools

import jax
import jax.numpy as jnp
from jax import lax
from jax.experimental import pallas as pl
from jax.experimental.pallas import tpu as pltpu
from jax.experimental.pallas import tpu_sc as plsc

CH = 128


def _dot_chunk(zb, wb, ob, o0):
    lane = lax.iota(jnp.int32, 16)
    last = lane == 15

    @plsc.parallel_loop(0, CH, 1, unroll=1)
    def body(i):
        acc = zb[i, pl.ds(0, 16)] * wb[i, pl.ds(0, 16)]
        for k in range(1, 8):
            acc = acc + zb[i, pl.ds(16 * k, 16)] * wb[i, pl.ds(16 * k, 16)]
        tot = plsc.cumsum(acc)
        plsc.store_scatter(ob, [jnp.full((16,), o0 + i, jnp.int32)], tot,
                           mask=last)


def kernel(Z, y, W1, b1):
    B, D = Z.shape
    info = plsc.get_sparse_core_info()
    nsub = info.num_subcores
    nw = info.num_cores * nsub
    bpw = B // nw
    nch = bpw // CH
    y32 = y.astype(jnp.int32)

    mesh = plsc.VectorSubcoreMesh(core_axis_name="c", subcore_axis_name="s")

    @functools.partial(
        pl.kernel,
        out_type=jax.ShapeDtypeStruct((B,), jnp.float32),
        mesh=mesh,
        compiler_params=pltpu.CompilerParams(needs_layout_passes=False),
        scratch_types=[
            pltpu.VMEM((bpw,), jnp.int32),
            pltpu.VMEM((2, CH, D), jnp.float32),
            pltpu.VMEM((2, CH, D), jnp.float32),
            pltpu.VMEM((bpw,), jnp.float32),
            pltpu.VMEM((bpw,), jnp.float32),
            pltpu.SemaphoreType.DMA((2,)),
            pltpu.SemaphoreType.DMA((2,)),
            pltpu.SemaphoreType.DMA,
        ],
    )
    def k(z_hbm, y_hbm, w_hbm, b_hbm, out_hbm,
          idx_v, zbuf, wbuf, bbuf, obuf, zsem, wsem, bsem):
        wid = lax.axis_index("c") * nsub + lax.axis_index("s")
        base0 = wid * bpw

        def zcopy(c, buf):
            return pltpu.make_async_copy(
                z_hbm.at[pl.ds(base0 + c * CH, CH)], zbuf.at[buf],
                zsem.at[buf])

        def wcopy(c, buf):
            return pltpu.make_async_copy(
                w_hbm.at[idx_v.at[pl.ds(c * CH, CH)]], wbuf.at[buf],
                wsem.at[buf])

        hy1 = pltpu.async_copy(y_hbm.at[pl.ds(base0, CH)],
                               idx_v.at[pl.ds(0, CH)], wsem.at[0])
        hy2 = pltpu.async_copy(y_hbm.at[pl.ds(base0 + CH, bpw - CH)],
                               idx_v.at[pl.ds(CH, bpw - CH)], wsem.at[1])
        zcopy(0, 0).start()
        zcopy(1, 1).start()
        hy1.wait()
        wcopy(0, 0).start()
        hy2.wait()
        for c in range(nch):
            pltpu.make_async_copy(b_hbm.at[idx_v.at[pl.ds(c * CH, CH)]],
                                  bbuf.at[pl.ds(c * CH, CH)], bsem).start()
        wcopy(1, 1).start()

        def chunk_body(c, carry):
            buf = c & 1
            zcopy(c, buf).wait()
            wcopy(c, buf).wait()
            o0 = c * CH
            _dot_chunk(zbuf.at[buf], wbuf.at[buf], obuf, o0)

            @pl.when(c + 2 < nch)
            def _():
                zcopy(c + 2, buf).start()
                wcopy(c + 2, buf).start()

            return carry

        lax.fori_loop(0, nch, chunk_body, 0)
        pltpu.make_async_copy(b_hbm.at[idx_v], bbuf, bsem).wait()
        for g in range(bpw // 16):
            obuf[pl.ds(g * 16, 16)] = (obuf[pl.ds(g * 16, 16)] +
                                       bbuf[pl.ds(g * 16, 16)])
        pltpu.sync_copy(obuf, out_hbm.at[pl.ds(base0, bpw)])

    return k(Z, y32, W1, b1)

# --- scband reference (transcript-rebuilt; emitter-appended) ---
"""Pipeline reference for scband-discriminators-1l-76081050681688 (READ-ONLY COPY).

The authoritative reference and input builder live on the scoring server;
editing this copy changes nothing except your own understanding.
"""

import jax, jax.numpy as jnp
import numpy as np

NUM_CLASSES = 100000
FEAT_DIM = 128
BATCH = 16384

def setup_inputs(seed: int = 0) -> dict:
    key = jax.random.key(seed)
    k1, k2, k3 = jax.random.split(key, 3)
    Z = jax.random.normal(k1, (BATCH, FEAT_DIM), dtype=jnp.float32)
    y = jax.random.randint(k2, (BATCH,), 0, NUM_CLASSES, dtype=jnp.int64)
    W1 = jax.random.normal(k3, (NUM_CLASSES, FEAT_DIM), dtype=jnp.float32)
    b1 = jnp.zeros((NUM_CLASSES,), dtype=jnp.float32)
    return {"Z": Z, "y": y, "W1": W1, "b1": b1}

def reference(Z, y, W1, b1):
    # w1 = self.W1[y, :]; b1 = self.b1[y]
    w1 = jnp.take(W1, y, axis=0)
    b1g = jnp.take(b1, y, axis=0)
    # op = (w1 * Z).sum(-1) + b1
    op = jnp.sum(w1 * Z, axis=-1) + b1g
    return op

if __name__ == "__main__":
    import jax
    _d = setup_inputs()
    print(jax.jit(kernel)(*tuple(_d.values())))

</pallas_src>

<mosaic_0001>
#map = affine_map<(d0, d1) -> (0, 0)>
#map1 = affine_map<(d0, d1) -> (0)>
module attributes {stable_mosaic.version = 14 : i64} {
  func.func @k(%arg0: i32, %arg1: i32, %arg2: memref<16384x128xf32, #tpu.memory_space<hbm>>, %arg3: memref<16384xi32, #tpu.memory_space<hbm>>, %arg4: memref<100000x128xf32, #tpu.memory_space<hbm>>, %arg5: memref<100000xf32, #tpu.memory_space<hbm>>, %arg6: memref<16384xf32, #tpu.memory_space<hbm>>, %arg7: memref<512xi32, #tpu.memory_space<vmem>>, %arg8: memref<2x128x128xf32, #tpu.memory_space<vmem>>, %arg9: memref<2x128x128xf32, #tpu.memory_space<vmem>>, %arg10: memref<512xf32, #tpu.memory_space<vmem>>, %arg11: memref<512xf32, #tpu.memory_space<vmem>>, %arg12: memref<2x!tpu.dma_semaphore, #tpu.memory_space<semaphore_mem>>, %arg13: memref<2x!tpu.dma_semaphore, #tpu.memory_space<semaphore_mem>>, %arg14: memref<!tpu.dma_semaphore, #tpu.memory_space<semaphore_mem>>) attributes {dimension_semantics = [#tpu.dimension_semantics<core_parallel>, #tpu.dimension_semantics<subcore_parallel>], iteration_bounds = array<i64: 2, 16>, scalar_prefetch = 0 : i64, scratch_operands = 8 : i64, tpu.core_type = #tpu.core_type<sc_vector_subcore>, window_params = [{transform_indices = #map}, {transform_indices = #map1}, {transform_indices = #map}, {transform_indices = #map1}, {transform_indices = #map1}]} {
    %mul3A = arith.constant 16 : i32
    %mul3A_0 = arith.muli %arg0, %mul3A : i32
    %add3A = arith.addi %mul3A_0, %arg1 : i32
    %mul3A_1 = arith.constant 512 : i32
    %mul3A_2 = arith.muli %add3A, %mul3A_1 : i32
    %dma_start3A = arith.constant 0 : i32
    %dma_start3A_3 = arith.constant 0 : i32
    %dma_start3A_4 = tpu.memref_slice %arg7[%dma_start3A_3] : memref<512xi32, #tpu.memory_space<vmem>> -> memref<128xi32, #tpu.memory_space<vmem>>
    %dma_start3A_5 = tpu.memref_slice %arg3[%mul3A_2] : memref<16384xi32, #tpu.memory_space<hbm>> -> memref<128xi32, #tpu.memory_space<hbm>>
    %dma_start3A_6 = tpu.memref_slice %arg13[%dma_start3A] : memref<2x!tpu.dma_semaphore, #tpu.memory_space<semaphore_mem>> -> memref<1x!tpu.dma_semaphore, #tpu.memory_space<semaphore_mem>>
    %dma_start3A_7 = tpu.memref_squeeze %dma_start3A_6 : memref<1x!tpu.dma_semaphore, #tpu.memory_space<semaphore_mem>> -> memref<!tpu.dma_semaphore, #tpu.memory_space<semaphore_mem>>
    %dma_start3A_8 = arith.constant 0 : i32
    %dma_start3A_9 = tpu.memref_slice %arg7[%dma_start3A_8] : memref<512xi32, #tpu.memory_space<vmem>> -> memref<128xi32, #tpu.memory_space<vmem>>
    %dma_start3A_10 = tpu.memref_slice %arg3[%mul3A_2] : memref<16384xi32, #tpu.memory_space<hbm>> -> memref<128xi32, #tpu.memory_space<hbm>>
    tpu.enqueue_dma source(%dma_start3A_10 : memref<128xi32, #tpu.memory_space<hbm>>) target(%dma_start3A_9 : memref<128xi32, #tpu.memory_space<vmem>>) target_semaphore(%dma_start3A_7 : memref<!tpu.dma_semaphore, #tpu.memory_space<semaphore_mem>>)
    %add3A_11 = arith.constant 128 : i32
    %add3A_12 = arith.addi %mul3A_2, %add3A_11 : i32
    %dma_start3A_13 = arith.constant 1 : i32
    %dma_start3A_14 = arith.constant 128 : i32
    %dma_start3A_15 = tpu.memref_slice %arg7[%dma_start3A_14] : memref<512xi32, #tpu.memory_space<vmem>> -> memref<384xi32, #tpu.memory_space<vmem>>
    %dma_start3A_16 = tpu.memref_slice %arg3[%add3A_12] : memref<16384xi32, #tpu.memory_space<hbm>> -> memref<384xi32, #tpu.memory_space<hbm>>
    %dma_start3A_17 = tpu.memref_slice %arg13[%dma_start3A_13] : memref<2x!tpu.dma_semaphore, #tpu.memory_space<semaphore_mem>> -> memref<1x!tpu.dma_semaphore, #tpu.memory_space<semaphore_mem>>
    %dma_start3A_18 = tpu.memref_squeeze %dma_start3A_17 : memref<1x!tpu.dma_semaphore, #tpu.memory_space<semaphore_mem>> -> memref<!tpu.dma_semaphore, #tpu.memory_space<semaphore_mem>>
    %dma_start3A_19 = arith.constant 128 : i32
    %dma_start3A_20 = tpu.memref_slice %arg7[%dma_start3A_19] : memref<512xi32, #tpu.memory_space<vmem>> -> memref<384xi32, #tpu.memory_space<vmem>>
    %dma_start3A_21 = tpu.memref_slice %arg3[%add3A_12] : memref<16384xi32, #tpu.memory_space<hbm>> -> memref<384xi32, #tpu.memory_space<hbm>>
    tpu.enqueue_dma source(%dma_start3A_21 : memref<384xi32, #tpu.memory_space<hbm>>) target(%dma_start3A_20 : memref<384xi32, #tpu.memory_space<vmem>>) target_semaphore(%dma_start3A_18 : memref<!tpu.dma_semaphore, #tpu.memory_space<semaphore_mem>>)
    %add3A_22 = arith.constant 0 : i32
    %add3A_23 = arith.addi %mul3A_2, %add3A_22 : i32
    %dma_start3A_24 = arith.constant 0 : i32
    %dma_start3A_25 = arith.constant 0 : i32
    %dma_start3A_26 = arith.constant 0 : i32
    %dma_start3A_27 = arith.constant 0 : i32
    %dma_start3A_28 = tpu.memref_slice %arg8[%dma_start3A_24, %dma_start3A_26, %dma_start3A_27] : memref<2x128x128xf32, #tpu.memory_space<vmem>> -> memref<1x128x128xf32, #tpu.memory_space<vmem>>
    %dma_start3A_29 = tpu.memref_squeeze %dma_start3A_28 : memref<1x128x128xf32, #tpu.memory_space<vmem>> -> memref<128x128xf32, #tpu.memory_space<vmem>>
    %dma_start3A_30 = arith.constant 0 : i32
    %dma_start3A_31 = tpu.memref_slice %arg2[%add3A_23, %dma_start3A_30] : memref<16384x128xf32, #tpu.memory_space<hbm>> -> memref<128x128xf32, #tpu.memory_space<hbm>>
    %dma_start3A_32 = tpu.memref_slice %arg12[%dma_start3A_25] : memref<2x!tpu.dma_semaphore, #tpu.memory_space<semaphore_mem>> -> memref<1x!tpu.dma_semaphore, #tpu.memory_space<semaphore_mem>>
    %dma_start3A_33 = tpu.memref_squeeze %dma_start3A_32 : memref<1x!tpu.dma_semaphore, #tpu.memory_space<semaphore_mem>> -> memref<!tpu.dma_semaphore, #tpu.memory_space<semaphore_mem>>
    %dma_start3A_34 = arith.constant 0 : i32
    %dma_start3A_35 = arith.constant 0 : i32
    %dma_start3A_36 = tpu.memref_slice %arg8[%dma_start3A_24, %dma_start3A_34, %dma_start3A_35] : memref<2x128x128xf32, #tpu.memory_space<vmem>> -> memref<1x128x128xf32, #tpu.memory_space<vmem>>
    %dma_start3A_37 = tpu.memref_squeeze %dma_start3A_36 : memref<1x128x128xf32, #tpu.memory_space<vmem>> -> memref<128x128xf32, #tpu.memory_space<vmem>>
    %dma_start3A_38 = arith.constant 0 : i32
    %dma_start3A_39 = tpu.memref_slice %arg2[%add3A_23, %dma_start3A_38] : memref<16384x128xf32, #tpu.memory_space<hbm>> -> memref<128x128xf32, #tpu.memory_space<hbm>>
    tpu.enqueue_dma source(%dma_start3A_39 : memref<128x128xf32, #tpu.memory_space<hbm>>) target(%dma_start3A_37 : memref<128x128xf32, #tpu.memory_space<vmem>>) target_semaphore(%dma_start3A_33 : memref<!tpu.dma_semaphore, #tpu.memory_space<semaphore_mem>>)
    %add3A_40 = arith.constant 128 : i32
    %add3A_41 = arith.addi %mul3A_2, %add3A_40 : i32
    %dma_start3A_42 = arith.constant 1 : i32
    %dma_start3A_43 = arith.constant 1 : i32
    %dma_start3A_44 = arith.constant 0 : i32
    %dma_start3A_45 = arith.constant 0 : i32
    %dma_start3A_46 = tpu.memref_slice %arg8[%dma_start3A_42, %dma_start3A_44, %dma_start3A_45] : memref<2x128x128xf32, #tpu.memory_space<vmem>> -> memref<1x128x128xf32, #tpu.memory_space<vmem>>
    %dma_start3A_47 = tpu.memref_squeeze %dma_start3A_46 : memref<1x128x128xf32, #tpu.memory_space<vmem>> -> memref<128x128xf32, #tpu.memory_space<vmem>>
    %dma_start3A_48 = arith.constant 0 : i32
    %dma_start3A_49 = tpu.memref_slice %arg2[%add3A_41, %dma_start3A_48] : memref<16384x128xf32, #tpu.memory_space<hbm>> -> memref<128x128xf32, #tpu.memory_space<hbm>>
    %dma_start3A_50 = tpu.memref_slice %arg12[%dma_start3A_43] : memref<2x!tpu.dma_semaphore, #tpu.memory_space<semaphore_mem>> -> memref<1x!tpu.dma_semaphore, #tpu.memory_space<semaphore_mem>>
    %dma_start3A_51 = tpu.memref_squeeze %dma_start3A_50 : memref<1x!tpu.dma_semaphore, #tpu.memory_space<semaphore_mem>> -> memref<!tpu.dma_semaphore, #tpu.memory_space<semaphore_mem>>
    %dma_start3A_52 = arith.constant 0 : i32
    %dma_start3A_53 = arith.constant 0 : i32
    %dma_start3A_54 = tpu.memref_slice %arg8[%dma_start3A_42, %dma_start3A_52, %dma_start3A_53] : memref<2x128x128xf32, #tpu.memory_space<vmem>> -> memref<1x128x128xf32, #tpu.memory_space<vmem>>
    %dma_start3A_55 = tpu.memref_squeeze %dma_start3A_54 : memref<1x128x128xf32, #tpu.memory_space<vmem>> -> memref<128x128xf32, #tpu.memory_space<vmem>>
    %dma_start3A_56 = arith.constant 0 : i32
    %dma_start3A_57 = tpu.memref_slice %arg2[%add3A_41, %dma_start3A_56] : memref<16384x128xf32, #tpu.memory_space<hbm>> -> memref<128x128xf32, #tpu.memory_space<hbm>>
    tpu.enqueue_dma source(%dma_start3A_57 : memref<128x128xf32, #tpu.memory_space<hbm>>) target(%dma_start3A_55 : memref<128x128xf32, #tpu.memory_space<vmem>>) target_semaphore(%dma_start3A_51 : memref<!tpu.dma_semaphore, #tpu.memory_space<semaphore_mem>>)
    %dma_wait3A = arith.constant 0 : i32
    %dma_wait3A_58 = arith.constant 0 : i32
    %dma_wait3A_59 = tpu.memref_slice %arg7[%dma_wait3A_58] : memref<512xi32, #tpu.memory_space<vmem>> -> memref<128xi32, #tpu.memory_space<vmem>>
    %dma_wait3A_60 = tpu.memref_slice %arg3[%mul3A_2] : memref<16384xi32, #tpu.memory_space<hbm>> -> memref<128xi32, #tpu.memory_space<hbm>>
    %dma_wait3A_61 = tpu.memref_slice %arg13[%dma_wait3A] : memref<2x!tpu.dma_semaphore, #tpu.memory_space<semaphore_mem>> -> memref<1x!tpu.dma_semaphore, #tpu.memory_space<semaphore_mem>>
    %dma_wait3A_62 = tpu.memref_squeeze %dma_wait3A_61 : memref<1x!tpu.dma_semaphore, #tpu.memory_space<semaphore_mem>> -> memref<!tpu.dma_semaphore, #tpu.memory_space<semaphore_mem>>
    %dma_wait3A_63 = arith.constant 0 : i32
    %dma_wait3A_64 = tpu.memref_slice %arg7[%dma_wait3A_63] : memref<512xi32, #tpu.memory_space<vmem>> -> memref<128xi32, #tpu.memory_space<vmem>>
    %dma_wait3A_65 = tpu.memref_slice %arg3[%mul3A_2] : memref<16384xi32, #tpu.memory_space<hbm>> -> memref<128xi32, #tpu.memory_space<hbm>>
    tpu.wait_dma2 semaphore(%dma_wait3A_62 : memref<!tpu.dma_semaphore, #tpu.memory_space<semaphore_mem>>) src(%dma_wait3A_65 : memref<128xi32, #tpu.memory_space<hbm>>) dst(%dma_wait3A_64 : memref<128xi32, #tpu.memory_space<vmem>>)
    %dma_start3A_66 = arith.constant 0 : i32
    %dma_start3A_67 = arith.constant 0 : i32
    %dma_start3A_68 = arith.constant 0 : i32
    %dma_start3A_69 = arith.constant 0 : i32
    %dma_start3A_70 = tpu.memref_slice %arg9[%dma_start3A_66, %dma_start3A_68, %dma_start3A_69] : memref<2x128x128xf32, #tpu.memory_space<vmem>> -> memref<1x128x128xf32, #tpu.memory_space<vmem>>
    %dma_start3A_71 = tpu.memref_squeeze %dma_start3A_70 : memref<1x128x128xf32, #tpu.memory_space<vmem>> -> memref<128x128xf32, #tpu.memory_space<vmem>>
    %dma_start3A_72 = arith.constant 0 : i32
    %dma_start3A_73 = tpu.memref_slice %arg7[%dma_start3A_72] : memref<512xi32, #tpu.memory_space<vmem>> -> memref<128xi32, #tpu.memory_space<vmem>>
    %dma_start3A_74 = arith.constant 0 : i32
    %dma_start3A_75 = arith.constant 0 : i32
    %dma_start3A_76 = tpu.memref_slice %arg4[%dma_start3A_74, %dma_start3A_75] : memref<100000x128xf32, #tpu.memory_space<hbm>> -> memref<100000x128xf32, #tpu.memory_space<hbm>>
    %dma_start3A_77 = tpu.memref_slice %arg13[%dma_start3A_67] : memref<2x!tpu.dma_semaphore, #tpu.memory_space<semaphore_mem>> -> memref<1x!tpu.dma_semaphore, #tpu.memory_space<semaphore_mem>>
    %dma_start3A_78 = tpu.memref_squeeze %dma_start3A_77 : memref<1x!tpu.dma_semaphore, #tpu.memory_space<semaphore_mem>> -> memref<!tpu.dma_semaphore, #tpu.memory_space<semaphore_mem>>
    tpu.enqueue_indirect_dma source(%dma_start3A_76 : memref<100000x128xf32, #tpu.memory_space<hbm>>) target(%dma_start3A_71 : memref<128x128xf32, #tpu.memory_space<vmem>>) offsets(%dma_start3A_73 : memref<128xi32, #tpu.memory_space<vmem>>) semaphore(%dma_start3A_78 : memref<!tpu.dma_semaphore, #tpu.memory_space<semaphore_mem>>)
    %dma_wait3A_79 = arith.constant 1 : i32
    %dma_wait3A_80 = arith.constant 128 : i32
    %dma_wait3A_81 = tpu.memref_slice %arg7[%dma_wait3A_80] : memref<512xi32, #tpu.memory_space<vmem>> -> memref<384xi32, #tpu.memory_space<vmem>>
    %dma_wait3A_82 = tpu.memref_slice %arg3[%add3A_12] : memref<16384xi32, #tpu.memory_space<hbm>> -> memref<384xi32, #tpu.memory_space<hbm>>
    %dma_wait3A_83 = tpu.memref_slice %arg13[%dma_wait3A_79] : memref<2x!tpu.dma_semaphore, #tpu.memory_space<semaphore_mem>> -> memref<1x!tpu.dma_semaphore, #tpu.memory_space<semaphore_mem>>
    %dma_wait3A_84 = tpu.memref_squeeze %dma_wait3A_83 : memref<1x!tpu.dma_semaphore, #tpu.memory_space<semaphore_mem>> -> memref<!tpu.dma_semaphore, #tpu.memory_space<semaphore_mem>>
    %dma_wait3A_85 = arith.constant 128 : i32
    %dma_wait3A_86 = tpu.memref_slice %arg7[%dma_wait3A_85] : memref<512xi32, #tpu.memory_space<vmem>> -> memref<384xi32, #tpu.memory_space<vmem>>
    %dma_wait3A_87 = tpu.memref_slice %arg3[%add3A_12] : memref<16384xi32, #tpu.memory_space<hbm>> -> memref<384xi32, #tpu.memory_space<hbm>>
    tpu.wait_dma2 semaphore(%dma_wait3A_84 : memref<!tpu.dma_semaphore, #tpu.memory_space<semaphore_mem>>) src(%dma_wait3A_87 : memref<384xi32, #tpu.memory_space<hbm>>) dst(%dma_wait3A_86 : memref<384xi32, #tpu.memory_space<vmem>>)
    %dma_start3A_88 = arith.constant 0 : i32
    %dma_start3A_89 = tpu.memref_slice %arg10[%dma_start3A_88] : memref<512xf32, #tpu.memory_space<vmem>> -> memref<128xf32, #tpu.memory_space<vmem>>
    %dma_start3A_90 = arith.constant 0 : i32
    %dma_start3A_91 = tpu.memref_slice %arg7[%dma_start3A_90] : memref<512xi32, #tpu.memory_space<vmem>> -> memref<128xi32, #tpu.memory_space<vmem>>
    %dma_start3A_92 = arith.constant 0 : i32
    %dma_start3A_93 = tpu.memref_slice %arg5[%dma_start3A_92] : memref<100000xf32, #tpu.memory_space<hbm>> -> memref<100000xf32, #tpu.memory_space<hbm>>
    tpu.enqueue_indirect_dma source(%dma_start3A_93 : memref<100000xf32, #tpu.memory_space<hbm>>) target(%dma_start3A_89 : memref<128xf32, #tpu.memory_space<vmem>>) offsets(%dma_start3A_91 : memref<128xi32, #tpu.memory_space<vmem>>) semaphore(%arg14 : memref<!tpu.dma_semaphore, #tpu.memory_space<semaphore_mem>>)
    %dma_start3A_94 = arith.constant 128 : i32
    %dma_start3A_95 = tpu.memref_slice %arg10[%dma_start3A_94] : memref<512xf32, #tpu.memory_space<vmem>> -> memref<128xf32, #tpu.memory_space<vmem>>
    %dma_start3A_96 = arith.constant 128 : i32
    %dma_start3A_97 = tpu.memref_slice %arg7[%dma_start3A_96] : memref<512xi32, #tpu.memory_space<vmem>> -> memref<128xi32, #tpu.memory_space<vmem>>
    %dma_start3A_98 = arith.constant 0 : i32
    %dma_start3A_99 = tpu.memref_slice %arg5[%dma_start3A_98] : memref<100000xf32, #tpu.memory_space<hbm>> -> memref<100000xf32, #tpu.memory_space<hbm>>
    tpu.enqueue_indirect_dma source(%dma_start3A_99 : memref<100000xf32, #tpu.memory_space<hbm>>) target(%dma_start3A_95 : memref<128xf32, #tpu.memory_space<vmem>>) offsets(%dma_start3A_97 : memref<128xi32, #tpu.memory_space<vmem>>) semaphore(%arg14 : memref<!tpu.dma_semaphore, #tpu.memory_space<semaphore_mem>>)
    %dma_start3A_100 = arith.constant 256 : i32
    %dma_start3A_101 = tpu.memref_slice %arg10[%dma_start3A_100] : memref<512xf32, #tpu.memory_space<vmem>> -> memref<128xf32, #tpu.memory_space<vmem>>
    %dma_start3A_102 = arith.constant 256 : i32
    %dma_start3A_103 = tpu.memref_slice %arg7[%dma_start3A_102] : memref<512xi32, #tpu.memory_space<vmem>> -> memref<128xi32, #tpu.memory_space<vmem>>
    %dma_start3A_104 = arith.constant 0 : i32
    %dma_start3A_105 = tpu.memref_slice %arg5[%dma_start3A_104] : memref<100000xf32, #tpu.memory_space<hbm>> -> memref<100000xf32, #tpu.memory_space<hbm>>
    tpu.enqueue_indirect_dma source(%dma_start3A_105 : memref<100000xf32, #tpu.memory_space<hbm>>) target(%dma_start3A_101 : memref<128xf32, #tpu.memory_space<vmem>>) offsets(%dma_start3A_103 : memref<128xi32, #tpu.memory_space<vmem>>) semaphore(%arg14 : memref<!tpu.dma_semaphore, #tpu.memory_space<semaphore_mem>>)
    %dma_start3A_106 = arith.constant 384 : i32
    %dma_start3A_107 = tpu.memref_slice %arg10[%dma_start3A_106] : memref<512xf32, #tpu.memory_space<vmem>> -> memref<128xf32, #tpu.memory_space<vmem>>
    %dma_start3A_108 = arith.constant 384 : i32
    %dma_start3A_109 = tpu.memref_slice %arg7[%dma_start3A_108] : memref<512xi32, #tpu.memory_space<vmem>> -> memref<128xi32, #tpu.memory_space<vmem>>
    %dma_start3A_110 = arith.constant 0 : i32
    %dma_start3A_111 = tpu.memref_slice %arg5[%dma_start3A_110] : memref<100000xf32, #tpu.memory_space<hbm>> -> memref<100000xf32, #tpu.memory_space<hbm>>
    tpu.enqueue_indirect_dma source(%dma_start3A_111 : memref<100000xf32, #tpu.memory_space<hbm>>) target(%dma_start3A_107 : memref<128xf32, #tpu.memory_space<vmem>>) offsets(%dma_start3A_109 : memref<128xi32, #tpu.memory_space<vmem>>) semaphore(%arg14 : memref<!tpu.dma_semaphore, #tpu.memory_space<semaphore_mem>>)
    %dma_start3A_112 = arith.constant 1 : i32
    %dma_start3A_113 = arith.constant 1 : i32
    %dma_start3A_114 = arith.constant 0 : i32
    %dma_start3A_115 = arith.constant 0 : i32
    %dma_start3A_116 = tpu.memref_slice %arg9[%dma_start3A_112, %dma_start3A_114, %dma_start3A_115] : memref<2x128x128xf32, #tpu.memory_space<vmem>> -> memref<1x128x128xf32, #tpu.memory_space<vmem>>
    %dma_start3A_117 = tpu.memref_squeeze %dma_start3A_116 : memref<1x128x128xf32, #tpu.memory_space<vmem>> -> memref<128x128xf32, #tpu.memory_space<vmem>>
    %dma_start3A_118 = arith.constant 128 : i32
    %dma_start3A_119 = tpu.memref_slice %arg7[%dma_start3A_118] : memref<512xi32, #tpu.memory_space<vmem>> -> memref<128xi32, #tpu.memory_space<vmem>>
    %dma_start3A_120 = arith.constant 0 : i32
    %dma_start3A_121 = arith.constant 0 : i32
    %dma_start3A_122 = tpu.memref_slice %arg4[%dma_start3A_120, %dma_start3A_121] : memref<100000x128xf32, #tpu.memory_space<hbm>> -> memref<100000x128xf32, #tpu.memory_space<hbm>>
    %dma_start3A_123 = tpu.memref_slice %arg13[%dma_start3A_113] : memref<2x!tpu.dma_semaphore, #tpu.memory_space<semaphore_mem>> -> memref<1x!tpu.dma_semaphore, #tpu.memory_space<semaphore_mem>>
    %dma_start3A_124 = tpu.memref_squeeze %dma_start3A_123 : memref<1x!tpu.dma_semaphore, #tpu.memory_space<semaphore_mem>> -> memref<!tpu.dma_semaphore, #tpu.memory_space<semaphore_mem>>
    tpu.enqueue_indirect_dma source(%dma_start3A_122 : memref<100000x128xf32, #tpu.memory_space<hbm>>) target(%dma_start3A_117 : memref<128x128xf32, #tpu.memory_space<vmem>>) offsets(%dma_start3A_119 : memref<128xi32, #tpu.memory_space<vmem>>) semaphore(%dma_start3A_124 : memref<!tpu.dma_semaphore, #tpu.memory_space<semaphore_mem>>)
    %scan3A = arith.constant 0 : i32
    %scan3A_125 = arith.constant 0 : i32
    %scan3A_126 = arith.constant 4 : i32
    %scan3A_127 = arith.addi %scan3A_125, %scan3A_126 : i32
    %scan3A_128 = arith.constant 1 : i32
    scf.for %scan3A_354 = %scan3A_125 to %scan3A_127 step %scan3A_128  : i32 {
      %and3A = arith.constant 1 : i32
      %and3A_355 = arith.andi %scan3A_354, %and3A : i32
      %mul3A_356 = arith.constant 128 : i32
      %mul3A_357 = arith.muli %scan3A_354, %mul3A_356 : i32
      %add3A_358 = arith.addi %mul3A_2, %mul3A_357 : i32
      %dma_wait3A_359 = arith.constant 0 : i32
      %dma_wait3A_360 = arith.constant 0 : i32
      %dma_wait3A_361 = tpu.memref_slice %arg8[%and3A_355, %dma_wait3A_359, %dma_wait3A_360] : memref<2x128x128xf32, #tpu.memory_space<vmem>> -> memref<1x128x128xf32, #tpu.memory_space<vmem>>
      %dma_wait3A_362 = tpu.memref_squeeze %dma_wait3A_361 : memref<1x128x128xf32, #tpu.memory_space<vmem>> -> memref<128x128xf32, #tpu.memory_space<vmem>>
      %dma_wait3A_363 = arith.constant 0 : i32
      %dma_wait3A_364 = tpu.memref_slice %arg2[%add3A_358, %dma_wait3A_363] : memref<16384x128xf32, #tpu.memory_space<hbm>> -> memref<128x128xf32, #tpu.memory_space<hbm>>
      %dma_wait3A_365 = tpu.memref_slice %arg12[%and3A_355] : memref<2x!tpu.dma_semaphore, #tpu.memory_space<semaphore_mem>> -> memref<1x!tpu.dma_semaphore, #tpu.memory_space<semaphore_mem>>
      %dma_wait3A_366 = tpu.memref_squeeze %dma_wait3A_365 : memref<1x!tpu.dma_semaphore, #tpu.memory_space<semaphore_mem>> -> memref<!tpu.dma_semaphore, #tpu.memory_space<semaphore_mem>>
      %dma_wait3A_367 = arith.constant 0 : i32
      %dma_wait3A_368 = arith.constant 0 : i32
      %dma_wait3A_369 = tpu.memref_slice %arg8[%and3A_355, %dma_wait3A_367, %dma_wait3A_368] : memref<2x128x128xf32, #tpu.memory_space<vmem>> -> memref<1x128x128xf32, #tpu.memory_space<vmem>>
      %dma_wait3A_370 = tpu.memref_squeeze %dma_wait3A_369 : memref<1x128x128xf32, #tpu.memory_space<vmem>> -> memref<128x128xf32, #tpu.memory_space<vmem>>
      %dma_wait3A_371 = arith.constant 0 : i32
      %dma_wait3A_372 = tpu.memref_slice %arg2[%add3A_358, %dma_wait3A_371] : memref<16384x128xf32, #tpu.memory_space<hbm>> -> memref<128x128xf32, #tpu.memory_space<hbm>>
      tpu.wait_dma2 semaphore(%dma_wait3A_366 : memref<!tpu.dma_semaphore, #tpu.memory_space<semaphore_mem>>) src(%dma_wait3A_372 : memref<128x128xf32, #tpu.memory_space<hbm>>) dst(%dma_wait3A_370 : memref<128x128xf32, #tpu.memory_space<vmem>>)
      %mul3A_373 = arith.constant 128 : i32
      %mul3A_374 = arith.muli %scan3A_354, %mul3A_373 : i32
      %dma_wait3A_375 = arith.constant 0 : i32
      %dma_wait3A_376 = arith.constant 0 : i32
      %dma_wait3A_377 = tpu.memref_slice %arg9[%and3A_355, %dma_wait3A_375, %dma_wait3A_376] : memref<2x128x128xf32, #tpu.memory_space<vmem>> -> memref<1x128x128xf32, #tpu.memory_space<vmem>>
      %dma_wait3A_378 = tpu.memref_squeeze %dma_wait3A_377 : memref<1x128x128xf32, #tpu.memory_space<vmem>> -> memref<128x128xf32, #tpu.memory_space<vmem>>
      %dma_wait3A_379 = tpu.memref_slice %arg7[%mul3A_374] : memref<512xi32, #tpu.memory_space<vmem>> -> memref<128xi32, #tpu.memory_space<vmem>>
      %dma_wait3A_380 = arith.constant 0 : i32
      %dma_wait3A_381 = arith.constant 0 : i32
      %dma_wait3A_382 = tpu.memref_slice %arg4[%dma_wait3A_380, %dma_wait3A_381] : memref<100000x128xf32, #tpu.memory_space<hbm>> -> memref<100000x128xf32, #tpu.memory_space<hbm>>
      %dma_wait3A_383 = tpu.memref_slice %arg13[%and3A_355] : memref<2x!tpu.dma_semaphore, #tpu.memory_space<semaphore_mem>> -> memref<1x!tpu.dma_semaphore, #tpu.memory_space<semaphore_mem>>
      %dma_wait3A_384 = tpu.memref_squeeze %dma_wait3A_383 : memref<1x!tpu.dma_semaphore, #tpu.memory_space<semaphore_mem>> -> memref<!tpu.dma_semaphore, #tpu.memory_space<semaphore_mem>>
      tpu.wait_indirect_dma semaphore(%dma_wait3A_384 : memref<!tpu.dma_semaphore, #tpu.memory_space<semaphore_mem>>) src(%dma_wait3A_382 : memref<100000x128xf32, #tpu.memory_space<hbm>>) dst(%dma_wait3A_378 : memref<128x128xf32, #tpu.memory_space<vmem>>)
      %mul3A_385 = arith.constant 128 : i32
      %mul3A_386 = arith.muli %scan3A_354, %mul3A_385 : i32
      %iota3A = tpu.iota {dimensions = array<i32: 0>} : vector<16xi32>
      %eq3A = arith.constant 15 : i32
      %eq3A_387 = vector.broadcast %eq3A : i32 to vector<16xi32>
      %eq3A_388 = arith.cmpi eq, %iota3A, %eq3A_387 : vector<16xi32>
      %parallel_loop3A = arith.constant 0 : i32
      %parallel_loop3A_389 = arith.constant 128 : i32
      %parallel_loop3A_390 = arith.constant 1 : i32
      scf.for %parallel_loop3A_395 = %parallel_loop3A to %parallel_loop3A_389 step %parallel_loop3A_390  : i32 {
        %parallel_loop3A_396 = arith.constant 0 : i32
        %parallel_loop3A_397 = arith.constant 0 : i32
        %parallel_loop3A_398 = tpu.memref_slice %arg8[%and3A_355, %parallel_loop3A_396, %parallel_loop3A_397] : memref<2x128x128xf32, #tpu.memory_space<vmem>> -> memref<1x128x128xf32, #tpu.memory_space<vmem>>
        %parallel_loop3A_399 = tpu.memref_squeeze %parallel_loop3A_398 : memref<1x128x128xf32, #tpu.memory_space<vmem>> -> memref<128x128xf32, #tpu.memory_space<vmem>>
        %parallel_loop3A_400 = arith.index_cast %parallel_loop3A_395 : i32 to index
        %parallel_loop3A_401 = arith.constant 0 : index
        %parallel_loop3A_402 = tpu.vector_load %parallel_loop3A_399[%parallel_loop3A_400, %parallel_loop3A_401] {strides = array<i32>} : memref<128x128xf32, #tpu.memory_space<vmem>>, vector<16xf32>,
        %parallel_loop3A_403 = arith.constant 0 : i32
        %parallel_loop3A_404 = arith.constant 0 : i32
        %parallel_loop3A_405 = tpu.memref_slice %arg9[%and3A_355, %parallel_loop3A_403, %parallel_loop3A_404] : memref<2x128x128xf32, #tpu.memory_space<vmem>> -> memref<1x128x128xf32, #tpu.memory_space<vmem>>
        %parallel_loop3A_406 = tpu.memref_squeeze %parallel_loop3A_405 : memref<1x128x128xf32, #tpu.memory_space<vmem>> -> memref<128x128xf32, #tpu.memory_space<vmem>>
        %parallel_loop3A_407 = arith.index_cast %parallel_loop3A_395 : i32 to index
        %parallel_loop3A_408 = arith.constant 0 : index
        %parallel_loop3A_409 = tpu.vector_load %parallel_loop3A_406[%parallel_loop3A_407, %parallel_loop3A_408] {strides = array<i32>} : memref<128x128xf32, #tpu.memory_space<vmem>>, vector<16xf32>,
        %parallel_loop3A_410 = arith.mulf %parallel_loop3A_402, %parallel_loop3A_409 : vector<16xf32>
        %parallel_loop3A_411 = arith.constant 0 : i32
        %parallel_loop3A_412 = arith.constant 0 : i32
        %parallel_loop3A_413 = tpu.memref_slice %arg8[%and3A_355, %parallel_loop3A_411, %parallel_loop3A_412] : memref<2x128x128xf32, #tpu.memory_space<vmem>> -> memref<1x128x128xf32, #tpu.memory_space<vmem>>
        %parallel_loop3A_414 = tpu.memref_squeeze %parallel_loop3A_413 : memref<1x128x128xf32, #tpu.memory_space<vmem>> -> memref<128x128xf32, #tpu.memory_space<vmem>>
        %parallel_loop3A_415 = arith.index_cast %parallel_loop3A_395 : i32 to index
        %parallel_loop3A_416 = arith.constant 16 : index
        %parallel_loop3A_417 = tpu.vector_load %parallel_loop3A_414[%parallel_loop3A_415, %parallel_loop3A_416] {strides = array<i32>} : memref<128x128xf32, #tpu.memory_space<vmem>>, vector<16xf32>,
        %parallel_loop3A_418 = arith.constant 0 : i32
        %parallel_loop3A_419 = arith.constant 0 : i32
        %parallel_loop3A_420 = tpu.memref_slice %arg9[%and3A_355, %parallel_loop3A_418, %parallel_loop3A_419] : memref<2x128x128xf32, #tpu.memory_space<vmem>> -> memref<1x128x128xf32, #tpu.memory_space<vmem>>
        %parallel_loop3A_421 = tpu.memref_squeeze %parallel_loop3A_420 : memref<1x128x128xf32, #tpu.memory_space<vmem>> -> memref<128x128xf32, #tpu.memory_space<vmem>>
        %parallel_loop3A_422 = arith.index_cast %parallel_loop3A_395 : i32 to index
        %parallel_loop3A_423 = arith.constant 16 : index
        %parallel_loop3A_424 = tpu.vector_load %parallel_loop3A_421[%parallel_loop3A_422, %parallel_loop3A_423] {strides = array<i32>} : memref<128x128xf32, #tpu.memory_space<vmem>>, vector<16xf32>,
        %parallel_loop3A_425 = arith.mulf %parallel_loop3A_417, %parallel_loop3A_424 : vector<16xf32>
        %parallel_loop3A_426 = arith.addf %parallel_loop3A_410, %parallel_loop3A_425 : vector<16xf32>
        %parallel_loop3A_427 = arith.constant 0 : i32
        %parallel_loop3A_428 = arith.constant 0 : i32
        %parallel_loop3A_429 = tpu.memref_slice %arg8[%and3A_355, %parallel_loop3A_427, %parallel_loop3A_428] : memref<2x128x128xf32, #tpu.memory_space<vmem>> -> memref<1x128x128xf32, #tpu.memory_space<vmem>>
        %parallel_loop3A_430 = tpu.memref_squeeze %parallel_loop3A_429 : memref<1x128x128xf32, #tpu.memory_space<vmem>> -> memref<128x128xf32, #tpu.memory_space<vmem>>
        %parallel_loop3A_431 = arith.index_cast %parallel_loop3A_395 : i32 to index
        %parallel_loop3A_432 = arith.constant 32 : index
        %parallel_loop3A_433 = tpu.vector_load %parallel_loop3A_430[%parallel_loop3A_431, %parallel_loop3A_432] {strides = array<i32>} : memref<128x128xf32, #tpu.memory_space<vmem>>, vector<16xf32>,
        %parallel_loop3A_434 = arith.constant 0 : i32
        %parallel_loop3A_435 = arith.constant 0 : i32
        %parallel_loop3A_436 = tpu.memref_slice %arg9[%and3A_355, %parallel_loop3A_434, %parallel_loop3A_435] : memref<2x128x128xf32, #tpu.memory_space<vmem>> -> memref<1x128x128xf32, #tpu.memory_space<vmem>>
        %parallel_loop3A_437 = tpu.memref_squeeze %parallel_loop3A_436 : memref<1x128x128xf32, #tpu.memory_space<vmem>> -> memref<128x128xf32, #tpu.memory_space<vmem>>
        %parallel_loop3A_438 = arith.index_cast %parallel_loop3A_395 : i32 to index
        %parallel_loop3A_439 = arith.constant 32 : index
        %parallel_loop3A_440 = tpu.vector_load %parallel_loop3A_437[%parallel_loop3A_438, %parallel_loop3A_439] {strides = array<i32>} : memref<128x128xf32, #tpu.memory_space<vmem>>, vector<16xf32>,
        %parallel_loop3A_441 = arith.mulf %parallel_loop3A_433, %parallel_loop3A_440 : vector<16xf32>
        %parallel_loop3A_442 = arith.addf %parallel_loop3A_426, %parallel_loop3A_441 : vector<16xf32>
        %parallel_loop3A_443 = arith.constant 0 : i32
        %parallel_loop3A_444 = arith.constant 0 : i32
        %parallel_loop3A_445 = tpu.memref_slice %arg8[%and3A_355, %parallel_loop3A_443, %parallel_loop3A_444] : memref<2x128x128xf32, #tpu.memory_space<vmem>> -> memref<1x128x128xf32, #tpu.memory_space<vmem>>
        %parallel_loop3A_446 = tpu.memref_squeeze %parallel_loop3A_445 : memref<1x128x128xf32, #tpu.memory_space<vmem>> -> memref<128x128xf32, #tpu.memory_space<vmem>>
        %parallel_loop3A_447 = arith.index_cast %parallel_loop3A_395 : i32 to index
        %parallel_loop3A_448 = arith.constant 48 : index
        %parallel_loop3A_449 = tpu.vector_load %parallel_loop3A_446[%parallel_loop3A_447, %parallel_loop3A_448] {strides = array<i32>} : memref<128x128xf32, #tpu.memory_space<vmem>>, vector<16xf32>,
        %parallel_loop3A_450 = arith.constant 0 : i32
        %parallel_loop3A_451 = arith.constant 0 : i32
        %parallel_loop3A_452 = tpu.memref_slice %arg9[%and3A_355, %parallel_loop3A_450, %parallel_loop3A_451] : memref<2x128x128xf32, #tpu.memory_space<vmem>> -> memref<1x128x128xf32, #tpu.memory_space<vmem>>
        %parallel_loop3A_453 = tpu.memref_squeeze %parallel_loop3A_452 : memref<1x128x128xf32, #tpu.memory_space<vmem>> -> memref<128x128xf32, #tpu.memory_space<vmem>>
        %parallel_loop3A_454 = arith.index_cast %parallel_loop3A_395 : i32 to index
        %parallel_loop3A_455 = arith.constant 48 : index
        %parallel_loop3A_456 = tpu.vector_load %parallel_loop3A_453[%parallel_loop3A_454, %parallel_loop3A_455] {strides = array<i32>} : memref<128x128xf32, #tpu.memory_space<vmem>>, vector<16xf32>,
        %parallel_loop3A_457 = arith.mulf %parallel_loop3A_449, %parallel_loop3A_456 : vector<16xf32>
        %parallel_loop3A_458 = arith.addf %parallel_loop3A_442, %parallel_loop3A_457 : vector<16xf32>
        %parallel_loop3A_459 = arith.constant 0 : i32
        %parallel_loop3A_460 = arith.constant 0 : i32
        %parallel_loop3A_461 = tpu.memref_slice %arg8[%and3A_355, %parallel_loop3A_459, %parallel_loop3A_460] : memref<2x128x128xf32, #tpu.memory_space<vmem>> -> memref<1x128x128xf32, #tpu.memory_space<vmem>>
        %parallel_loop3A_462 = tpu.memref_squeeze %parallel_loop3A_461 : memref<1x128x128xf32, #tpu.memory_space<vmem>> -> memref<128x128xf32, #tpu.memory_space<vmem>>
        %parallel_loop3A_463 = arith.index_cast %parallel_loop3A_395 : i32 to index
        %parallel_loop3A_464 = arith.constant 64 : index
        %parallel_loop3A_465 = tpu.vector_load %parallel_loop3A_462[%parallel_loop3A_463, %parallel_loop3A_464] {strides = array<i32>} : memref<128x128xf32, #tpu.memory_space<vmem>>, vector<16xf32>,
        %parallel_loop3A_466 = arith.constant 0 : i32
        %parallel_loop3A_467 = arith.constant 0 : i32
        %parallel_loop3A_468 = tpu.memref_slice %arg9[%and3A_355, %parallel_loop3A_466, %parallel_loop3A_467] : memref<2x128x128xf32, #tpu.memory_space<vmem>> -> memref<1x128x128xf32, #tpu.memory_space<vmem>>
        %parallel_loop3A_469 = tpu.memref_squeeze %parallel_loop3A_468 : memref<1x128x128xf32, #tpu.memory_space<vmem>> -> memref<128x128xf32, #tpu.memory_space<vmem>>
        %parallel_loop3A_470 = arith.index_cast %parallel_loop3A_395 : i32 to index
        %parallel_loop3A_471 = arith.constant 64 : index
        %parallel_loop3A_472 = tpu.vector_load %parallel_loop3A_469[%parallel_loop3A_470, %parallel_loop3A_471] {strides = array<i32>} : memref<128x128xf32, #tpu.memory_space<vmem>>, vector<16xf32>,
        %parallel_loop3A_473 = arith.mulf %parallel_loop3A_465, %parallel_loop3A_472 : vector<16xf32>
        %parallel_loop3A_474 = arith.addf %parallel_loop3A_458, %parallel_loop3A_473 : vector<16xf32>
        %parallel_loop3A_475 = arith.constant 0 : i32
        %parallel_loop3A_476 = arith.constant 0 : i32
        %parallel_loop3A_477 = tpu.memref_slice %arg8[%and3A_355, %parallel_loop3A_475, %parallel_loop3A_476] : memref<2x128x128xf32, #tpu.memory_space<vmem>> -> memref<1x128x128xf32, #tpu.memory_space<vmem>>
        %parallel_loop3A_478 = tpu.memref_squeeze %parallel_loop3A_477 : memref<1x128x128xf32, #tpu.memory_space<vmem>> -> memref<128x128xf32, #tpu.memory_space<vmem>>
        %parallel_loop3A_479 = arith.index_cast %parallel_loop3A_395 : i32 to index
        %parallel_loop3A_480 = arith.constant 80 : index
        %parallel_loop3A_481 = tpu.vector_load %parallel_loop3A_478[%parallel_loop3A_479, %parallel_loop3A_480] {strides = array<i32>} : memref<128x128xf32, #tpu.memory_space<vmem>>, vector<16xf32>,
        %parallel_loop3A_482 = arith.constant 0 : i32
        %parallel_loop3A_483 = arith.constant 0 : i32
        %parallel_loop3A_484 = tpu.memref_slice %arg9[%and3A_355, %parallel_loop3A_482, %parallel_loop3A_483] : memref<2x128x128xf32, #tpu.memory_space<vmem>> -> memref<1x128x128xf32, #tpu.memory_space<vmem>>
        %parallel_loop3A_485 = tpu.memref_squeeze %parallel_loop3A_484 : memref<1x128x128xf32, #tpu.memory_space<vmem>> -> memref<128x128xf32, #tpu.memory_space<vmem>>
        %parallel_loop3A_486 = arith.index_cast %parallel_loop3A_395 : i32 to index
        %parallel_loop3A_487 = arith.constant 80 : index
        %parallel_loop3A_488 = tpu.vector_load %parallel_loop3A_485[%parallel_loop3A_486, %parallel_loop3A_487] {strides = array<i32>} : memref<128x128xf32, #tpu.memory_space<vmem>>, vector<16xf32>,
        %parallel_loop3A_489 = arith.mulf %parallel_loop3A_481, %parallel_loop3A_488 : vector<16xf32>
        %parallel_loop3A_490 = arith.addf %parallel_loop3A_474, %parallel_loop3A_489 : vector<16xf32>
        %parallel_loop3A_491 = arith.constant 0 : i32
        %parallel_loop3A_492 = arith.constant 0 : i32
        %parallel_loop3A_493 = tpu.memref_slice %arg8[%and3A_355, %parallel_loop3A_491, %parallel_loop3A_492] : memref<2x128x128xf32, #tpu.memory_space<vmem>> -> memref<1x128x128xf32, #tpu.memory_space<vmem>>
        %parallel_loop3A_494 = tpu.memref_squeeze %parallel_loop3A_493 : memref<1x128x128xf32, #tpu.memory_space<vmem>> -> memref<128x128xf32, #tpu.memory_space<vmem>>
        %parallel_loop3A_495 = arith.index_cast %parallel_loop3A_395 : i32 to index
        %parallel_loop3A_496 = arith.constant 96 : index
        %parallel_loop3A_497 = tpu.vector_load %parallel_loop3A_494[%parallel_loop3A_495, %parallel_loop3A_496] {strides = array<i32>} : memref<128x128xf32, #tpu.memory_space<vmem>>, vector<16xf32>,
        %parallel_loop3A_498 = arith.constant 0 : i32
        %parallel_loop3A_499 = arith.constant 0 : i32
        %parallel_loop3A_500 = tpu.memref_slice %arg9[%and3A_355, %parallel_loop3A_498, %parallel_loop3A_499] : memref<2x128x128xf32, #tpu.memory_space<vmem>> -> memref<1x128x128xf32, #tpu.memory_space<vmem>>
        %parallel_loop3A_501 = tpu.memref_squeeze %parallel_loop3A_500 : memref<1x128x128xf32, #tpu.memory_space<vmem>> -> memref<128x128xf32, #tpu.memory_space<vmem>>
        %parallel_loop3A_502 = arith.index_cast %parallel_loop3A_395 : i32 to index
        %parallel_loop3A_503 = arith.constant 96 : index
        %parallel_loop3A_504 = tpu.vector_load %parallel_loop3A_501[%parallel_loop3A_502, %parallel_loop3A_503] {strides = array<i32>} : memref<128x128xf32, #tpu.memory_space<vmem>>, vector<16xf32>,
        %parallel_loop3A_505 = arith.mulf %parallel_loop3A_497, %parallel_loop3A_504 : vector<16xf32>
        %parallel_loop3A_506 = arith.addf %parallel_loop3A_490, %parallel_loop3A_505 : vector<16xf32>
        %parallel_loop3A_507 = arith.constant 0 : i32
        %parallel_loop3A_508 = arith.constant 0 : i32
        %parallel_loop3A_509 = tpu.memref_slice %arg8[%and3A_355, %parallel_loop3A_507, %parallel_loop3A_508] : memref<2x128x128xf32, #tpu.memory_space<vmem>> -> memref<1x128x128xf32, #tpu.memory_space<vmem>>
        %parallel_loop3A_510 = tpu.memref_squeeze %parallel_loop3A_509 : memref<1x128x128xf32, #tpu.memory_space<vmem>> -> memref<128x128xf32, #tpu.memory_space<vmem>>
        %parallel_loop3A_511 = arith.index_cast %parallel_loop3A_395 : i32 to index
        %parallel_loop3A_512 = arith.constant 112 : index
        %parallel_loop3A_513 = tpu.vector_load %parallel_loop3A_510[%parallel_loop3A_511, %parallel_loop3A_512] {strides = array<i32>} : memref<128x128xf32, #tpu.memory_space<vmem>>, vector<16xf32>,
        %parallel_loop3A_514 = arith.constant 0 : i32
        %parallel_loop3A_515 = arith.constant 0 : i32
        %parallel_loop3A_516 = tpu.memref_slice %arg9[%and3A_355, %parallel_loop3A_514, %parallel_loop3A_515] : memref<2x128x128xf32, #tpu.memory_space<vmem>> -> memref<1x128x128xf32, #tpu.memory_space<vmem>>
        %parallel_loop3A_517 = tpu.memref_squeeze %parallel_loop3A_516 : memref<1x128x128xf32, #tpu.memory_space<vmem>> -> memref<128x128xf32, #tpu.memory_space<vmem>>
        %parallel_loop3A_518 = arith.index_cast %parallel_loop3A_395 : i32 to index
        %parallel_loop3A_519 = arith.constant 112 : index
        %parallel_loop3A_520 = tpu.vector_load %parallel_loop3A_517[%parallel_loop3A_518, %parallel_loop3A_519] {strides = array<i32>} : memref<128x128xf32, #tpu.memory_space<vmem>>, vector<16xf32>,
        %parallel_loop3A_521 = arith.mulf %parallel_loop3A_513, %parallel_loop3A_520 : vector<16xf32>
        %parallel_loop3A_522 = arith.addf %parallel_loop3A_506, %parallel_loop3A_521 : vector<16xf32>
        %parallel_loop3A_523 = arith.constant true
        %parallel_loop3A_524 = vector.broadcast %parallel_loop3A_523 : i1 to vector<16xi1>
        %parallel_loop3A_525 = tpu.scan <sum>, %parallel_loop3A_522 masked %parallel_loop3A_524 : vector<16xf32>, vector<16xi1> -> vector<16xf32>
        %parallel_loop3A_526 = arith.addi %mul3A_386, %parallel_loop3A_395 : i32
        %parallel_loop3A_527 = vector.broadcast %parallel_loop3A_526 : i32 to vector<16xi32>
        tpu.vector_store_idx %arg11[%parallel_loop3A_527], %parallel_loop3A_525 masked %eq3A_388 : memref<512xf32, #tpu.memory_space<vmem>>[vector<16xi32>], vector<16xf32>, vector<16xi1>
      } {sc.loop_unroll_factor = 1 : i64, sc.parallel_access}
      %add3A_391 = arith.constant 2 : i32
      %add3A_392 = arith.addi %scan3A_354, %add3A_391 : i32
      %lt3A = arith.constant 4 : i32
      %lt3A_393 = arith.cmpi slt, %add3A_392, %lt3A : i32
      %convert_element_type3A = arith.extui %lt3A_393 : i1 to i32
      %cond3A = arith.constant 0 : i32
      %cond3A_394 = arith.cmpi ne, %convert_element_type3A, %cond3A : i32
      scf.if %cond3A_394 {
        %add3A_395 = arith.constant 2 : i32
        %add3A_396 = arith.addi %scan3A_354, %add3A_395 : i32
        %mul3A_397 = arith.constant 128 : i32
        %mul3A_398 = arith.muli %add3A_396, %mul3A_397 : i32
        %add3A_399 = arith.addi %mul3A_2, %mul3A_398 : i32
        %dma_start3A_400 = arith.constant 0 : i32
        %dma_start3A_401 = arith.constant 0 : i32
        %dma_start3A_402 = tpu.memref_slice %arg8[%and3A_355, %dma_start3A_400, %dma_start3A_401] : memref<2x128x128xf32, #tpu.memory_space<vmem>> -> memref<1x128x128xf32, #tpu.memory_space<vmem>>
        %dma_start3A_403 = tpu.memref_squeeze %dma_start3A_402 : memref<1x128x128xf32, #tpu.memory_space<vmem>> -> memref<128x128xf32, #tpu.memory_space<vmem>>
        %dma_start3A_404 = arith.constant 0 : i32
        %dma_start3A_405 = tpu.memref_slice %arg2[%add3A_399, %dma_start3A_404] : memref<16384x128xf32, #tpu.memory_space<hbm>> -> memref<128x128xf32, #tpu.memory_space<hbm>>
        %dma_start3A_406 = tpu.memref_slice %arg12[%and3A_355] : memref<2x!tpu.dma_semaphore, #tpu.memory_space<semaphore_mem>> -> memref<1x!tpu.dma_semaphore, #tpu.memory_space<semaphore_mem>>
        %dma_start3A_407 = tpu.memref_squeeze %dma_start3A_406 : memref<1x!tpu.dma_semaphore, #tpu.memory_space<semaphore_mem>> -> memref<!tpu.dma_semaphore, #tpu.memory_space<semaphore_mem>>
        %dma_start3A_408 = arith.constant 0 : i32
        %dma_start3A_409 = arith.constant 0 : i32
        %dma_start3A_410 = tpu.memref_slice %arg8[%and3A_355, %dma_start3A_408, %dma_start3A_409] : memref<2x128x128xf32, #tpu.memory_space<vmem>> -> memref<1x128x128xf32, #tpu.memory_space<vmem>>
        %dma_start3A_411 = tpu.memref_squeeze %dma_start3A_410 : memref<1x128x128xf32, #tpu.memory_space<vmem>> -> memref<128x128xf32, #tpu.memory_space<vmem>>
        %dma_start3A_412 = arith.constant 0 : i32
        %dma_start3A_413 = tpu.memref_slice %arg2[%add3A_399, %dma_start3A_412] : memref<16384x128xf32, #tpu.memory_space<hbm>> -> memref<128x128xf32, #tpu.memory_space<hbm>>
        tpu.enqueue_dma source(%dma_start3A_413 : memref<128x128xf32, #tpu.memory_space<hbm>>) target(%dma_start3A_411 : memref<128x128xf32, #tpu.memory_space<vmem>>) target_semaphore(%dma_start3A_407 : memref<!tpu.dma_semaphore, #tpu.memory_space<semaphore_mem>>)
        %add3A_414 = arith.constant 2 : i32
        %add3A_415 = arith.addi %scan3A_354, %add3A_414 : i32
        %mul3A_416 = arith.constant 128 : i32
        %mul3A_417 = arith.muli %add3A_415, %mul3A_416 : i32
        %dma_start3A_418 = arith.constant 0 : i32
        %dma_start3A_419 = arith.constant 0 : i32
        %dma_start3A_420 = tpu.memref_slice %arg9[%and3A_355, %dma_start3A_418, %dma_start3A_419] : memref<2x128x128xf32, #tpu.memory_space<vmem>> -> memref<1x128x128xf32, #tpu.memory_space<vmem>>
        %dma_start3A_421 = tpu.memref_squeeze %dma_start3A_420 : memref<1x128x128xf32, #tpu.memory_space<vmem>> -> memref<128x128xf32, #tpu.memory_space<vmem>>
        %dma_start3A_422 = tpu.memref_slice %arg7[%mul3A_417] : memref<512xi32, #tpu.memory_space<vmem>> -> memref<128xi32, #tpu.memory_space<vmem>>
        %dma_start3A_423 = arith.constant 0 : i32
        %dma_start3A_424 = arith.constant 0 : i32
        %dma_start3A_425 = tpu.memref_slice %arg4[%dma_start3A_423, %dma_start3A_424] : memref<100000x128xf32, #tpu.memory_space<hbm>> -> memref<100000x128xf32, #tpu.memory_space<hbm>>
        %dma_start3A_426 = tpu.memref_slice %arg13[%and3A_355] : memref<2x!tpu.dma_semaphore, #tpu.memory_space<semaphore_mem>> -> memref<1x!tpu.dma_semaphore, #tpu.memory_space<semaphore_mem>>
        %dma_start3A_427 = tpu.memref_squeeze %dma_start3A_426 : memref<1x!tpu.dma_semaphore, #tpu.memory_space<semaphore_mem>> -> memref<!tpu.dma_semaphore, #tpu.memory_space<semaphore_mem>>
        tpu.enqueue_indirect_dma source(%dma_start3A_425 : memref<100000x128xf32, #tpu.memory_space<hbm>>) target(%dma_start3A_421 : memref<128x128xf32, #tpu.memory_space<vmem>>) offsets(%dma_start3A_422 : memref<128xi32, #tpu.memory_space<vmem>>) semaphore(%dma_start3A_427 : memref<!tpu.dma_semaphore, #tpu.memory_space<semaphore_mem>>)
      } else {
      }
    }
    %scan3A_129 = arith.constant 4 : i32
    %dma_wait3A_130 = arith.constant 0 : i32
    %dma_wait3A_131 = tpu.memref_slice %arg5[%dma_wait3A_130] : memref<100000xf32, #tpu.memory_space<hbm>> -> memref<100000xf32, #tpu.memory_space<hbm>>
    tpu.wait_indirect_dma semaphore(%arg14 : memref<!tpu.dma_semaphore, #tpu.memory_space<semaphore_mem>>) src(%dma_wait3A_131 : memref<100000xf32, #tpu.memory_space<hbm>>) dst(%arg10 : memref<512xf32, #tpu.memory_space<vmem>>)
    %get3A = arith.constant 0 : index
    %get3A_132 = tpu.vector_load %arg11[%get3A] {strides = array<i32>} : memref<512xf32, #tpu.memory_space<vmem>>, vector<16xf32>,
    %get3A_133 = arith.constant 0 : index
    %get3A_134 = tpu.vector_load %arg10[%get3A_133] {strides = array<i32>} : memref<512xf32, #tpu.memory_space<vmem>>, vector<16xf32>,
    %add3A_135 = arith.addf %get3A_132, %get3A_134 : vector<16xf32>
    %swap3A = arith.constant 0 : index
    %swap3A_136 = tpu.vector_load %arg11[%swap3A] {strides = array<i32>} : memref<512xf32, #tpu.memory_space<vmem>>, vector<16xf32>,
    tpu.vector_store %arg11[%swap3A], %add3A_135 {strides = array<i32>} : memref<512xf32, #tpu.memory_space<vmem>>, vector<16xf32>,
    %get3A_137 = arith.constant 16 : index
    %get3A_138 = tpu.vector_load %arg11[%get3A_137] {strides = array<i32>} : memref<512xf32, #tpu.memory_space<vmem>>, vector<16xf32>,
    %get3A_139 = arith.constant 16 : index
    %get3A_140 = tpu.vector_load %arg10[%get3A_139] {strides = array<i32>} : memref<512xf32, #tpu.memory_space<vmem>>, vector<16xf32>,
    %add3A_141 = arith.addf %get3A_138, %get3A_140 : vector<16xf32>
    %swap3A_142 = arith.constant 16 : index
    %swap3A_143 = tpu.vector_load %arg11[%swap3A_142] {strides = array<i32>} : memref<512xf32, #tpu.memory_space<vmem>>, vector<16xf32>,
    tpu.vector_store %arg11[%swap3A_142], %add3A_141 {strides = array<i32>} : memref<512xf32, #tpu.memory_space<vmem>>, vector<16xf32>,
    %get3A_144 = arith.constant 32 : index
    %get3A_145 = tpu.vector_load %arg11[%get3A_144] {strides = array<i32>} : memref<512xf32, #tpu.memory_space<vmem>>, vector<16xf32>,
    %get3A_146 = arith.constant 32 : index
    %get3A_147 = tpu.vector_load %arg10[%get3A_146] {strides = array<i32>} : memref<512xf32, #tpu.memory_space<vmem>>, vector<16xf32>,
    %add3A_148 = arith.addf %get3A_145, %get3A_147 : vector<16xf32>
    %swap3A_149 = arith.constant 32 : index
    %swap3A_150 = tpu.vector_load %arg11[%swap3A_149] {strides = array<i32>} : memref<512xf32, #tpu.memory_space<vmem>>, vector<16xf32>,
    tpu.vector_store %arg11[%swap3A_149], %add3A_148 {strides = array<i32>} : memref<512xf32, #tpu.memory_space<vmem>>, vector<16xf32>,
    %get3A_151 = arith.constant 48 : index
    %get3A_152 = tpu.vector_load %arg11[%get3A_151] {strides = array<i32>} : memref<512xf32, #tpu.memory_space<vmem>>, vector<16xf32>,
    %get3A_153 = arith.constant 48 : index
    %get3A_154 = tpu.vector_load %arg10[%get3A_153] {strides = array<i32>} : memref<512xf32, #tpu.memory_space<vmem>>, vector<16xf32>,
    %add3A_155 = arith.addf %get3A_152, %get3A_154 : vector<16xf32>
    %swap3A_156 = arith.constant 48 : index
    %swap3A_157 = tpu.vector_load %arg11[%swap3A_156] {strides = array<i32>} : memref<512xf32, #tpu.memory_space<vmem>>, vector<16xf32>,
    tpu.vector_store %arg11[%swap3A_156], %add3A_155 {strides = array<i32>} : memref<512xf32, #tpu.memory_space<vmem>>, vector<16xf32>,
    %get3A_158 = arith.constant 64 : index
    %get3A_159 = tpu.vector_load %arg11[%get3A_158] {strides = array<i32>} : memref<512xf32, #tpu.memory_space<vmem>>, vector<16xf32>,
    %get3A_160 = arith.constant 64 : index
    %get3A_161 = tpu.vector_load %arg10[%get3A_160] {strides = array<i32>} : memref<512xf32, #tpu.memory_space<vmem>>, vector<16xf32>,
    %add3A_162 = arith.addf %get3A_159, %get3A_161 : vector<16xf32>
    %swap3A_163 = arith.constant 64 : index
    %swap3A_164 = tpu.vector_load %arg11[%swap3A_163] {strides = array<i32>} : memref<512xf32, #tpu.memory_space<vmem>>, vector<16xf32>,
    tpu.vector_store %arg11[%swap3A_163], %add3A_162 {strides = array<i32>} : memref<512xf32, #tpu.memory_space<vmem>>, vector<16xf32>,
    %get3A_165 = arith.constant 80 : index
    %get3A_166 = tpu.vector_load %arg11[%get3A_165] {strides = array<i32>} : memref<512xf32, #tpu.memory_space<vmem>>, vector<16xf32>,
    %get3A_167 = arith.constant 80 : index
    %get3A_168 = tpu.vector_load %arg10[%get3A_167] {strides = array<i32>} : memref<512xf32, #tpu.memory_space<vmem>>, vector<16xf32>,
    %add3A_169 = arith.addf %get3A_166, %get3A_168 : vector<16xf32>
    %swap3A_170 = arith.constant 80 : index
    %swap3A_171 = tpu.vector_load %arg11[%swap3A_170] {strides = array<i32>} : memref<512xf32, #tpu.memory_space<vmem>>, vector<16xf32>,
    tpu.vector_store %arg11[%swap3A_170], %add3A_169 {strides = array<i32>} : memref<512xf32, #tpu.memory_space<vmem>>, vector<16xf32>,
    %get3A_172 = arith.constant 96 : index
    %get3A_173 = tpu.vector_load %arg11[%get3A_172] {strides = array<i32>} : memref<512xf32, #tpu.memory_space<vmem>>, vector<16xf32>,
    %get3A_174 = arith.constant 96 : index
    %get3A_175 = tpu.vector_load %arg10[%get3A_174] {strides = array<i32>} : memref<512xf32, #tpu.memory_space<vmem>>, vector<16xf32>,
    %add3A_176 = arith.addf %get3A_173, %get3A_175 : vector<16xf32>
    %swap3A_177 = arith.constant 96 : index
    %swap3A_178 = tpu.vector_load %arg11[%swap3A_177] {strides = array<i32>} : memref<512xf32, #tpu.memory_space<vmem>>, vector<16xf32>,
    tpu.vector_store %arg11[%swap3A_177], %add3A_176 {strides = array<i32>} : memref<512xf32, #tpu.memory_space<vmem>>, vector<16xf32>,
    %get3A_179 = arith.constant 112 : index
    %get3A_180 = tpu.vector_load %arg11[%get3A_179] {strides = array<i32>} : memref<512xf32, #tpu.memory_space<vmem>>, vector<16xf32>,
    %get3A_181 = arith.constant 112 : index
    %get3A_182 = tpu.vector_load %arg10[%get3A_181] {strides = array<i32>} : memref<512xf32, #tpu.memory_space<vmem>>, vector<16xf32>,
    %add3A_183 = arith.addf %get3A_180, %get3A_182 : vector<16xf32>
    %swap3A_184 = arith.constant 112 : index
    %swap3A_185 = tpu.vector_load %arg11[%swap3A_184] {strides = array<i32>} : memref<512xf32, #tpu.memory_space<vmem>>, vector<16xf32>,
    tpu.vector_store %arg11[%swap3A_184], %add3A_183 {strides = array<i32>} : memref<512xf32, #tpu.memory_space<vmem>>, vector<16xf32>,
    %get3A_186 = arith.constant 128 : index
    %get3A_187 = tpu.vector_load %arg11[%get3A_186] {strides = array<i32>} : memref<512xf32, #tpu.memory_space<vmem>>, vector<16xf32>,
    %get3A_188 = arith.constant 128 : index
    %get3A_189 = tpu.vector_load %arg10[%get3A_188] {strides = array<i32>} : memref<512xf32, #tpu.memory_space<vmem>>, vector<16xf32>,
    %add3A_190 = arith.addf %get3A_187, %get3A_189 : vector<16xf32>
    %swap3A_191 = arith.constant 128 : index
    %swap3A_192 = tpu.vector_load %arg11[%swap3A_191] {strides = array<i32>} : memref<512xf32, #tpu.memory_space<vmem>>, vector<16xf32>,
    tpu.vector_store %arg11[%swap3A_191], %add3A_190 {strides = array<i32>} : memref<512xf32, #tpu.memory_space<vmem>>, vector<16xf32>,
    %get3A_193 = arith.constant 144 : index
    %get3A_194 = tpu.vector_load %arg11[%get3A_193] {strides = array<i32>} : memref<512xf32, #tpu.memory_space<vmem>>, vector<16xf32>,
    %get3A_195 = arith.constant 144 : index
    %get3A_196 = tpu.vector_load %arg10[%get3A_195] {strides = array<i32>} : memref<512xf32, #tpu.memory_space<vmem>>, vector<16xf32>,
    %add3A_197 = arith.addf %get3A_194, %get3A_196 : vector<16xf32>
    %swap3A_198 = arith.constant 144 : index
    %swap3A_199 = tpu.vector_load %arg11[%swap3A_198] {strides = array<i32>} : memref<512xf32, #tpu.memory_space<vmem>>, vector<16xf32>,
    tpu.vector_store %arg11[%swap3A_198], %add3A_197 {strides = array<i32>} : memref<512xf32, #tpu.memory_space<vmem>>, vector<16xf32>,
    %get3A_200 = arith.constant 160 : index
    %get3A_201 = tpu.vector_load %arg11[%get3A_200] {strides = array<i32>} : memref<512xf32, #tpu.memory_space<vmem>>, vector<16xf32>,
    %get3A_202 = arith.constant 160 : index
    %get3A_203 = tpu.vector_load %arg10[%get3A_202] {strides = array<i32>} : memref<512xf32, #tpu.memory_space<vmem>>, vector<16xf32>,
    %add3A_204 = arith.addf %get3A_201, %get3A_203 : vector<16xf32>
    %swap3A_205 = arith.constant 160 : index
    %swap3A_206 = tpu.vector_load %arg11[%swap3A_205] {strides = array<i32>} : memref<512xf32, #tpu.memory_space<vmem>>, vector<16xf32>,
    tpu.vector_store %arg11[%swap3A_205], %add3A_204 {strides = array<i32>} : memref<512xf32, #tpu.memory_space<vmem>>, vector<16xf32>,
    %get3A_207 = arith.constant 176 : index
    %get3A_208 = tpu.vector_load %arg11[%get3A_207] {strides = array<i32>} : memref<512xf32, #tpu.memory_space<vmem>>, vector<16xf32>,
    %get3A_209 = arith.constant 176 : index
    %get3A_210 = tpu.vector_load %arg10[%get3A_209] {strides = array<i32>} : memref<512xf32, #tpu.memory_space<vmem>>, vector<16xf32>,
    %add3A_211 = arith.addf %get3A_208, %get3A_210 : vector<16xf32>
    %swap3A_212 = arith.constant 176 : index
    %swap3A_213 = tpu.vector_load %arg11[%swap3A_212] {strides = array<i32>} : memref<512xf32, #tpu.memory_space<vmem>>, vector<16xf32>,
    tpu.vector_store %arg11[%swap3A_212], %add3A_211 {strides = array<i32>} : memref<512xf32, #tpu.memory_space<vmem>>, vector<16xf32>,
    %get3A_214 = arith.constant 192 : index
    %get3A_215 = tpu.vector_load %arg11[%get3A_214] {strides = array<i32>} : memref<512xf32, #tpu.memory_space<vmem>>, vector<16xf32>,
    %get3A_216 = arith.constant 192 : index
    %get3A_217 = tpu.vector_load %arg10[%get3A_216] {strides = array<i32>} : memref<512xf32, #tpu.memory_space<vmem>>, vector<16xf32>,
    %add3A_218 = arith.addf %get3A_215, %get3A_217 : vector<16xf32>
    %swap3A_219 = arith.constant 192 : index
    %swap3A_220 = tpu.vector_load %arg11[%swap3A_219] {strides = array<i32>} : memref<512xf32, #tpu.memory_space<vmem>>, vector<16xf32>,
    tpu.vector_store %arg11[%swap3A_219], %add3A_218 {strides = array<i32>} : memref<512xf32, #tpu.memory_space<vmem>>, vector<16xf32>,
    %get3A_221 = arith.constant 208 : index
    %get3A_222 = tpu.vector_load %arg11[%get3A_221] {strides = array<i32>} : memref<512xf32, #tpu.memory_space<vmem>>, vector<16xf32>,
    %get3A_223 = arith.constant 208 : index
    %get3A_224 = tpu.vector_load %arg10[%get3A_223] {strides = array<i32>} : memref<512xf32, #tpu.memory_space<vmem>>, vector<16xf32>,
    %add3A_225 = arith.addf %get3A_222, %get3A_224 : vector<16xf32>
    %swap3A_226 = arith.constant 208 : index
    %swap3A_227 = tpu.vector_load %arg11[%swap3A_226] {strides = array<i32>} : memref<512xf32, #tpu.memory_space<vmem>>, vector<16xf32>,
    tpu.vector_store %arg11[%swap3A_226], %add3A_225 {strides = array<i32>} : memref<512xf32, #tpu.memory_space<vmem>>, vector<16xf32>,
    %get3A_228 = arith.constant 224 : index
    %get3A_229 = tpu.vector_load %arg11[%get3A_228] {strides = array<i32>} : memref<512xf32, #tpu.memory_space<vmem>>, vector<16xf32>,
    %get3A_230 = arith.constant 224 : index
    %get3A_231 = tpu.vector_load %arg10[%get3A_230] {strides = array<i32>} : memref<512xf32, #tpu.memory_space<vmem>>, vector<16xf32>,
    %add3A_232 = arith.addf %get3A_229, %get3A_231 : vector<16xf32>
    %swap3A_233 = arith.constant 224 : index
    %swap3A_234 = tpu.vector_load %arg11[%swap3A_233] {strides = array<i32>} : memref<512xf32, #tpu.memory_space<vmem>>, vector<16xf32>,
    tpu.vector_store %arg11[%swap3A_233], %add3A_232 {strides = array<i32>} : memref<512xf32, #tpu.memory_space<vmem>>, vector<16xf32>,
    %get3A_235 = arith.constant 240 : index
    %get3A_236 = tpu.vector_load %arg11[%get3A_235] {strides = array<i32>} : memref<512xf32, #tpu.memory_space<vmem>>, vector<16xf32>,
    %get3A_237 = arith.constant 240 : index
    %get3A_238 = tpu.vector_load %arg10[%get3A_237] {strides = array<i32>} : memref<512xf32, #tpu.memory_space<vmem>>, vector<16xf32>,
    %add3A_239 = arith.addf %get3A_236, %get3A_238 : vector<16xf32>
    %swap3A_240 = arith.constant 240 : index
    %swap3A_241 = tpu.vector_load %arg11[%swap3A_240] {strides = array<i32>} : memref<512xf32, #tpu.memory_space<vmem>>, vector<16xf32>,
    tpu.vector_store %arg11[%swap3A_240], %add3A_239 {strides = array<i32>} : memref<512xf32, #tpu.memory_space<vmem>>, vector<16xf32>,
    %get3A_242 = arith.constant 256 : index
    %get3A_243 = tpu.vector_load %arg11[%get3A_242] {strides = array<i32>} : memref<512xf32, #tpu.memory_space<vmem>>, vector<16xf32>,
    %get3A_244 = arith.constant 256 : index
    %get3A_245 = tpu.vector_load %arg10[%get3A_244] {strides = array<i32>} : memref<512xf32, #tpu.memory_space<vmem>>, vector<16xf32>,
    %add3A_246 = arith.addf %get3A_243, %get3A_245 : vector<16xf32>
    %swap3A_247 = arith.constant 256 : index
    %swap3A_248 = tpu.vector_load %arg11[%swap3A_247] {strides = array<i32>} : memref<512xf32, #tpu.memory_space<vmem>>, vector<16xf32>,
    tpu.vector_store %arg11[%swap3A_247], %add3A_246 {strides = array<i32>} : memref<512xf32, #tpu.memory_space<vmem>>, vector<16xf32>,
    %get3A_249 = arith.constant 272 : index
    %get3A_250 = tpu.vector_load %arg11[%get3A_249] {strides = array<i32>} : memref<512xf32, #tpu.memory_space<vmem>>, vector<16xf32>,
    %get3A_251 = arith.constant 272 : index
    %get3A_252 = tpu.vector_load %arg10[%get3A_251] {strides = array<i32>} : memref<512xf32, #tpu.memory_space<vmem>>, vector<16xf32>,
    %add3A_253 = arith.addf %get3A_250, %get3A_252 : vector<16xf32>
    %swap3A_254 = arith.constant 272 : index
    %swap3A_255 = tpu.vector_load %arg11[%swap3A_254] {strides = array<i32>} : memref<512xf32, #tpu.memory_space<vmem>>, vector<16xf32>,
    tpu.vector_store %arg11[%swap3A_254], %add3A_253 {strides = array<i32>} : memref<512xf32, #tpu.memory_space<vmem>>, vector<16xf32>,
    %get3A_256 = arith.constant 288 : index
    %get3A_257 = tpu.vector_load %arg11[%get3A_256] {strides = array<i32>} : memref<512xf32, #tpu.memory_space<vmem>>, vector<16xf32>,
    %get3A_258 = arith.constant 288 : index
    %get3A_259 = tpu.vector_load %arg10[%get3A_258] {strides = array<i32>} : memref<512xf32, #tpu.memory_space<vmem>>, vector<16xf32>,
    %add3A_260 = arith.addf %get3A_257, %get3A_259 : vector<16xf32>
    %swap3A_261 = arith.constant 288 : index
    %swap3A_262 = tpu.vector_load %arg11[%swap3A_261] {strides = array<i32>} : memref<512xf32, #tpu.memory_space<vmem>>, vector<16xf32>,
    tpu.vector_store %arg11[%swap3A_261], %add3A_260 {strides = array<i32>} : memref<512xf32, #tpu.memory_space<vmem>>, vector<16xf32>,
    %get3A_263 = arith.constant 304 : index
    %get3A_264 = tpu.vector_load %arg11[%get3A_263] {strides = array<i32>} : memref<512xf32, #tpu.memory_space<vmem>>, vector<16xf32>,
    %get3A_265 = arith.constant 304 : index
    %get3A_266 = tpu.vector_load %arg10[%get3A_265] {strides = array<i32>} : memref<512xf32, #tpu.memory_space<vmem>>, vector<16xf32>,
    %add3A_267 = arith.addf %get3A_264, %get3A_266 : vector<16xf32>
    %swap3A_268 = arith.constant 304 : index
    %swap3A_269 = tpu.vector_load %arg11[%swap3A_268] {strides = array<i32>} : memref<512xf32, #tpu.memory_space<vmem>>, vector<16xf32>,
    tpu.vector_store %arg11[%swap3A_268], %add3A_267 {strides = array<i32>} : memref<512xf32, #tpu.memory_space<vmem>>, vector<16xf32>,
    %get3A_270 = arith.constant 320 : index
    %get3A_271 = tpu.vector_load %arg11[%get3A_270] {strides = array<i32>} : memref<512xf32, #tpu.memory_space<vmem>>, vector<16xf32>,
    %get3A_272 = arith.constant 320 : index
    %get3A_273 = tpu.vector_load %arg10[%get3A_272] {strides = array<i32>} : memref<512xf32, #tpu.memory_space<vmem>>, vector<16xf32>,
    %add3A_274 = arith.addf %get3A_271, %get3A_273 : vector<16xf32>
    %swap3A_275 = arith.constant 320 : index
    %swap3A_276 = tpu.vector_load %arg11[%swap3A_275] {strides = array<i32>} : memref<512xf32, #tpu.memory_space<vmem>>, vector<16xf32>,
    tpu.vector_store %arg11[%swap3A_275], %add3A_274 {strides = array<i32>} : memref<512xf32, #tpu.memory_space<vmem>>, vector<16xf32>,
    %get3A_277 = arith.constant 336 : index
    %get3A_278 = tpu.vector_load %arg11[%get3A_277] {strides = array<i32>} : memref<512xf32, #tpu.memory_space<vmem>>, vector<16xf32>,
    %get3A_279 = arith.constant 336 : index
    %get3A_280 = tpu.vector_load %arg10[%get3A_279] {strides = array<i32>} : memref<512xf32, #tpu.memory_space<vmem>>, vector<16xf32>,
    %add3A_281 = arith.addf %get3A_278, %get3A_280 : vector<16xf32>
    %swap3A_282 = arith.constant 336 : index
    %swap3A_283 = tpu.vector_load %arg11[%swap3A_282] {strides = array<i32>} : memref<512xf32, #tpu.memory_space<vmem>>, vector<16xf32>,
    tpu.vector_store %arg11[%swap3A_282], %add3A_281 {strides = array<i32>} : memref<512xf32, #tpu.memory_space<vmem>>, vector<16xf32>,
    %get3A_284 = arith.constant 352 : index
    %get3A_285 = tpu.vector_load %arg11[%get3A_284] {strides = array<i32>} : memref<512xf32, #tpu.memory_space<vmem>>, vector<16xf32>,
    %get3A_286 = arith.constant 352 : index
    %get3A_287 = tpu.vector_load %arg10[%get3A_286] {strides = array<i32>} : memref<512xf32, #tpu.memory_space<vmem>>, vector<16xf32>,
    %add3A_288 = arith.addf %get3A_285, %get3A_287 : vector<16xf32>
    %swap3A_289 = arith.constant 352 : index
    %swap3A_290 = tpu.vector_load %arg11[%swap3A_289] {strides = array<i32>} : memref<512xf32, #tpu.memory_space<vmem>>, vector<16xf32>,
    tpu.vector_store %arg11[%swap3A_289], %add3A_288 {strides = array<i32>} : memref<512xf32, #tpu.memory_space<vmem>>, vector<16xf32>,
    %get3A_291 = arith.constant 368 : index
    %get3A_292 = tpu.vector_load %arg11[%get3A_291] {strides = array<i32>} : memref<512xf32, #tpu.memory_space<vmem>>, vector<16xf32>,
    %get3A_293 = arith.constant 368 : index
    %get3A_294 = tpu.vector_load %arg10[%get3A_293] {strides = array<i32>} : memref<512xf32, #tpu.memory_space<vmem>>, vector<16xf32>,
    %add3A_295 = arith.addf %get3A_292, %get3A_294 : vector<16xf32>
    %swap3A_296 = arith.constant 368 : index
    %swap3A_297 = tpu.vector_load %arg11[%swap3A_296] {strides = array<i32>} : memref<512xf32, #tpu.memory_space<vmem>>, vector<16xf32>,
    tpu.vector_store %arg11[%swap3A_296], %add3A_295 {strides = array<i32>} : memref<512xf32, #tpu.memory_space<vmem>>, vector<16xf32>,
    %get3A_298 = arith.constant 384 : index
    %get3A_299 = tpu.vector_load %arg11[%get3A_298] {strides = array<i32>} : memref<512xf32, #tpu.memory_space<vmem>>, vector<16xf32>,
    %get3A_300 = arith.constant 384 : index
    %get3A_301 = tpu.vector_load %arg10[%get3A_300] {strides = array<i32>} : memref<512xf32, #tpu.memory_space<vmem>>, vector<16xf32>,
    %add3A_302 = arith.addf %get3A_299, %get3A_301 : vector<16xf32>
    %swap3A_303 = arith.constant 384 : index
    %swap3A_304 = tpu.vector_load %arg11[%swap3A_303] {strides = array<i32>} : memref<512xf32, #tpu.memory_space<vmem>>, vector<16xf32>,
    tpu.vector_store %arg11[%swap3A_303], %add3A_302 {strides = array<i32>} : memref<512xf32, #tpu.memory_space<vmem>>, vector<16xf32>,
    %get3A_305 = arith.constant 400 : index
    %get3A_306 = tpu.vector_load %arg11[%get3A_305] {strides = array<i32>} : memref<512xf32, #tpu.memory_space<vmem>>, vector<16xf32>,
    %get3A_307 = arith.constant 400 : index
    %get3A_308 = tpu.vector_load %arg10[%get3A_307] {strides = array<i32>} : memref<512xf32, #tpu.memory_space<vmem>>, vector<16xf32>,
    %add3A_309 = arith.addf %get3A_306, %get3A_308 : vector<16xf32>
    %swap3A_310 = arith.constant 400 : index
    %swap3A_311 = tpu.vector_load %arg11[%swap3A_310] {strides = array<i32>} : memref<512xf32, #tpu.memory_space<vmem>>, vector<16xf32>,
    tpu.vector_store %arg11[%swap3A_310], %add3A_309 {strides = array<i32>} : memref<512xf32, #tpu.memory_space<vmem>>, vector<16xf32>,
    %get3A_312 = arith.constant 416 : index
    %get3A_313 = tpu.vector_load %arg11[%get3A_312] {strides = array<i32>} : memref<512xf32, #tpu.memory_space<vmem>>, vector<16xf32>,
    %get3A_314 = arith.constant 416 : index
    %get3A_315 = tpu.vector_load %arg10[%get3A_314] {strides = array<i32>} : memref<512xf32, #tpu.memory_space<vmem>>, vector<16xf32>,
    %add3A_316 = arith.addf %get3A_313, %get3A_315 : vector<16xf32>
    %swap3A_317 = arith.constant 416 : index
    %swap3A_318 = tpu.vector_load %arg11[%swap3A_317] {strides = array<i32>} : memref<512xf32, #tpu.memory_space<vmem>>, vector<16xf32>,
    tpu.vector_store %arg11[%swap3A_317], %add3A_316 {strides = array<i32>} : memref<512xf32, #tpu.memory_space<vmem>>, vector<16xf32>,
    %get3A_319 = arith.constant 432 : index
    %get3A_320 = tpu.vector_load %arg11[%get3A_319] {strides = array<i32>} : memref<512xf32, #tpu.memory_space<vmem>>, vector<16xf32>,
    %get3A_321 = arith.constant 432 : index
    %get3A_322 = tpu.vector_load %arg10[%get3A_321] {strides = array<i32>} : memref<512xf32, #tpu.memory_space<vmem>>, vector<16xf32>,
    %add3A_323 = arith.addf %get3A_320, %get3A_322 : vector<16xf32>
    %swap3A_324 = arith.constant 432 : index
    %swap3A_325 = tpu.vector_load %arg11[%swap3A_324] {strides = array<i32>} : memref<512xf32, #tpu.memory_space<vmem>>, vector<16xf32>,
    tpu.vector_store %arg11[%swap3A_324], %add3A_323 {strides = array<i32>} : memref<512xf32, #tpu.memory_space<vmem>>, vector<16xf32>,
    %get3A_326 = arith.constant 448 : index
    %get3A_327 = tpu.vector_load %arg11[%get3A_326] {strides = array<i32>} : memref<512xf32, #tpu.memory_space<vmem>>, vector<16xf32>,
    %get3A_328 = arith.constant 448 : index
    %get3A_329 = tpu.vector_load %arg10[%get3A_328] {strides = array<i32>} : memref<512xf32, #tpu.memory_space<vmem>>, vector<16xf32>,
    %add3A_330 = arith.addf %get3A_327, %get3A_329 : vector<16xf32>
    %swap3A_331 = arith.constant 448 : index
    %swap3A_332 = tpu.vector_load %arg11[%swap3A_331] {strides = array<i32>} : memref<512xf32, #tpu.memory_space<vmem>>, vector<16xf32>,
    tpu.vector_store %arg11[%swap3A_331], %add3A_330 {strides = array<i32>} : memref<512xf32, #tpu.memory_space<vmem>>, vector<16xf32>,
    %get3A_333 = arith.constant 464 : index
    %get3A_334 = tpu.vector_load %arg11[%get3A_333] {strides = array<i32>} : memref<512xf32, #tpu.memory_space<vmem>>, vector<16xf32>,
    %get3A_335 = arith.constant 464 : index
    %get3A_336 = tpu.vector_load %arg10[%get3A_335] {strides = array<i32>} : memref<512xf32, #tpu.memory_space<vmem>>, vector<16xf32>,
    %add3A_337 = arith.addf %get3A_334, %get3A_336 : vector<16xf32>
    %swap3A_338 = arith.constant 464 : index
    %swap3A_339 = tpu.vector_load %arg11[%swap3A_338] {strides = array<i32>} : memref<512xf32, #tpu.memory_space<vmem>>, vector<16xf32>,
    tpu.vector_store %arg11[%swap3A_338], %add3A_337 {strides = array<i32>} : memref<512xf32, #tpu.memory_space<vmem>>, vector<16xf32>,
    %get3A_340 = arith.constant 480 : index
    %get3A_341 = tpu.vector_load %arg11[%get3A_340] {strides = array<i32>} : memref<512xf32, #tpu.memory_space<vmem>>, vector<16xf32>,
    %get3A_342 = arith.constant 480 : index
    %get3A_343 = tpu.vector_load %arg10[%get3A_342] {strides = array<i32>} : memref<512xf32, #tpu.memory_space<vmem>>, vector<16xf32>,
    %add3A_344 = arith.addf %get3A_341, %get3A_343 : vector<16xf32>
    %swap3A_345 = arith.constant 480 : index
    %swap3A_346 = tpu.vector_load %arg11[%swap3A_345] {strides = array<i32>} : memref<512xf32, #tpu.memory_space<vmem>>, vector<16xf32>,
    tpu.vector_store %arg11[%swap3A_345], %add3A_344 {strides = array<i32>} : memref<512xf32, #tpu.memory_space<vmem>>, vector<16xf32>,
    %get3A_347 = arith.constant 496 : index
    %get3A_348 = tpu.vector_load %arg11[%get3A_347] {strides = array<i32>} : memref<512xf32, #tpu.memory_space<vmem>>, vector<16xf32>,
    %get3A_349 = arith.constant 496 : index
    %get3A_350 = tpu.vector_load %arg10[%get3A_349] {strides = array<i32>} : memref<512xf32, #tpu.memory_space<vmem>>, vector<16xf32>,
    %add3A_351 = arith.addf %get3A_348, %get3A_350 : vector<16xf32>
    %swap3A_352 = arith.constant 496 : index
    %swap3A_353 = tpu.vector_load %arg11[%swap3A_352] {strides = array<i32>} : memref<512xf32, #tpu.memory_space<vmem>>, vector<16xf32>,
    tpu.vector_store %arg11[%swap3A_352], %add3A_351 {strides = array<i32>} : memref<512xf32, #tpu.memory_space<vmem>>, vector<16xf32>,
    "tpu.region"() ({
      %run_scoped3A = tpu.sem_alloc : memref<!tpu.dma_semaphore, #tpu.memory_space<semaphore_mem>>
      %dma_start3A_354 = tpu.memref_slice %arg6[%mul3A_2] : memref<16384xf32, #tpu.memory_space<hbm>> -> memref<512xf32, #tpu.memory_space<hbm>>
      %dma_start3A_355 = tpu.memref_slice %arg6[%mul3A_2] : memref<16384xf32, #tpu.memory_space<hbm>> -> memref<512xf32, #tpu.memory_space<hbm>>
      tpu.enqueue_dma source(%arg11 : memref<512xf32, #tpu.memory_space<vmem>>) target(%dma_start3A_355 : memref<512xf32, #tpu.memory_space<hbm>>) target_semaphore(%run_scoped3A : memref<!tpu.dma_semaphore, #tpu.memory_space<semaphore_mem>>)
      %dma_wait3A_356 = tpu.memref_slice %arg6[%mul3A_2] : memref<16384xf32, #tpu.memory_space<hbm>> -> memref<512xf32, #tpu.memory_space<hbm>>
      %dma_wait3A_357 = tpu.memref_slice %arg6[%mul3A_2] : memref<16384xf32, #tpu.memory_space<hbm>> -> memref<512xf32, #tpu.memory_space<hbm>>
      tpu.wait_dma2 semaphore(%run_scoped3A : memref<!tpu.dma_semaphore, #tpu.memory_space<semaphore_mem>>) src(%arg11 : memref<512xf32, #tpu.memory_space<vmem>>) dst(%dma_wait3A_357 : memref<512xf32, #tpu.memory_space<hbm>>)
      tpu.yield
    }) : () -> ()
    return
  }
}

</mosaic_0001>

<sc_bundles>
// kernel: kernel.3.cloned.1.call-start
scs
__scs_entry_jumppad:
0x0: {  	(pc) =	sbr.rel $0x88, $3  }
0x1: {  	(tag) =	ssettag $0x0;
	lr =	simm.s32 $0x1  }
0x2: {  	[smem:$0x3F9D] =	sst lr;
	_ =	strace $0xD0000000  }
0x3: {  	_ = 	snop  }
0x4: {  	_ = 	snop  }
0x5: {  	_ = 	snop  }
0x6: {  	_ = 	snop  }
0x7: {  	_ = 	snop  }
__scs_overlays_trampoline_lowered:
0x8: {  	[smem:$0x3FAC] =	sst s0  }
0x9: {  	[smem:$0x3FAD] =	sst s1  }
0xa: {  	[smem:$0x3FAE] =	sst s2  }
0xb: {  	[smem:$0x3FAF] =	sst s3  }
0xc: {  	[smem:$0x3FB0] =	sst s4  }
0xd: {  	[smem:$0x3FB1] =	sst s5  }
0xe: {  	[smem:$0x3FB2] =	sst s6  }
0xf: {  	[smem:$0x3FB3] =	sst s7  }
0x10: {  	[smem:$0x3FB4] =	sst s8  }
0x11: {  	[smem:$0x3FB5] =	sst s9;
	s0 =	simm.s32 @!p0 $0x0  }
0x12: {  	s1 =	sld [smem:$0x3F9B];
	s0 =	simm.s32 @p0 $0x1  }
0x13: {  	[smem:$0x3FB6] =	sst s0;
	s0 =	simm.s32 @!p1 $0x0  }
0x14: {  	s2 =	sld [smem:$0x3F9A];
	s0 =	simm.s32 @p1 $0x1  }
0x15: {  	[smem:$0x3FB7] =	sst s0;
	s0 =	simm.s32 @!p2 $0x0  }
0x16: {  	s3 =	sld [smem:$0x3FDB];
	s0 =	simm.s32 @p2 $0x1  }
0x17: {  	s4 =	simm.s32 $0x1BF5;
	[smem:$0x3FB9] =	sst s0  }
0x18: {  	s0 =	sld [smem:$0x3F9C];
	_ =	swait.ge [sflag:s4], $0x0  }
0x19: {  	s7 =	sld [smem:$0x3F9D]  }
0x1a: {  	s8 =	sadd.s32 $0xFFFFE003, lr  }
0x1b: {  	s9 =	sadd.s32 $0xFFFFFEF7, lr;
	s5 =	simm.s32 $0xFFFFFFFF;
	p2 =	slt.u32 s8, $0xFFFFF086  }
0x1c: {  	p1 =	slt.u32 s9, $0xF7A;
	s5 =	simm.s32 @!p2 $0x0  }
0x1d: {  	s5 =	simm.s32 @p1 $0x1;
	p0 =	seq.s32 s7, s2  }
0x1e: {  	s7 =	smul.u32 @!p0 $0xF7A, s2;
	p2 =	seq.s32 @!p0 s5, $0x0  }
0x1f: {  	s9 =	smul.u32 $0xF7A, s1;
	s8 =	simm.s32 @!p0 $0x1BF5;
	p2 =	por !p2, p0  }
0x20: {  	[sflag:s8] =	ssyncset.s32 @!p0 $0xFFFFF086;
	s6 =	sadd.s32 @!p0 s3, s7;
	s7 =	simm.s32 @!p0 $0x108  }
0x21: {  	s3 =	sadd.s32 s3, s9;
	s6 =	sadd.s32 @!p0 $0x88, s6;
	s7 =	simm.s32 @p2 $0x1082  }
0x22: {  	[simem:s7], [sflag:s8] =	dma.local @!p0 [hbm:s6], $0xF7A  }
0x23: {  	s9 =	sor.u32 $0xD0000000, s2;
	s6 =	simm.s32 $0x108;
	_ =	swait.ge @!p0 [sflag:s8], $0x0  }
0x24: {  	s3 =	sadd.s32 $0x88, s3;
	s6 =	simm.s32 @!p1 $0x1082;
	[sflag:s4] =	ssyncset.s32 $0xFFFFF086  }
0x25: {  	[simem:s6], [sflag:s4] =	dma.local [hbm:s3], $0xF7A  }
0x26: {  	[smem:$0x3F9D] =	sst s1;
	(tag) =	ssettag s2;
	_ =	strace s9  }
0x27: {  	s1 =	sld [smem:$0x3FAD]  }
0x28: {  	s2 =	sld [smem:$0x3FAE]  }
0x29: {  	s4 =	sld [smem:$0x3FB0]  }
0x2a: {  	p0 =	seq.s32 s5, $0x0;
	s5 =	sld [smem:$0x3FB1]  }
0x2b: {  	s6 =	sld [smem:$0x3FB2]  }
0x2c: {  	s7 =	sld [smem:$0x3FB3]  }
0x2d: {  	s3 =	simm.s32 $0x108;
	s8 =	sld [smem:$0x3FB4]  }
0x2e: {  	s3 =	simm.s32 @!p0 $0x1082;
	s9 =	sld [smem:$0x3FB5]  }
0x2f: {  	lr =	sadd.s32 s0, s3;
	s0 =	sld [smem:$0x3FAC]  }
0x30: {  	s3 =	sld [smem:$0x3FAF]  }
0x31: {  	[smem:$0x3FB8] =	sst s10  }
0x32: {  	s10 =	sld [smem:$0x3FB6];
	_ =	sdelay $0x3  }
0x33: {  	p0 =	seq.s32 s10, $0x1;
	s10 =	sld [smem:$0x3FB8];
	_ =	sdelay $0x3  }
0x34: {  	[smem:$0x3FB8] =	sst s10  }
0x35: {  	s10 =	sld [smem:$0x3FB7];
	_ =	sdelay $0x3  }
0x36: {  	p1 =	seq.s32 s10, $0x1;
	s10 =	sld [smem:$0x3FB8];
	_ =	sdelay $0x3  }
0x37: {  	[smem:$0x3FB8] =	sst s10  }
0x38: {  	s10 =	sld [smem:$0x3FB9]  }
0x39: {  	_ = 	snop;
	(pc) =	sbr.ind lr, $3  }
0x3a: {  	_ = 	snop  }
0x3b: {  	_ = 	snop  }
0x3c: {  	p2 =	seq.s32 s10, $0x1;
	s10 =	sld [smem:$0x3FB8]  }
0x3d: {  	_ =	shalt  }
0x3e: {  	_ =	shalt  }
0x3f: {  	_ =	shalt  }
0x40: {  	_ =	shalt  }
0x41: {  	_ =	shalt  }
0x42: {  	_ =	shalt  }
0x43: {  	_ =	shalt  }
0x44: {  	_ =	shalt  }
0x45: {  	_ =	shalt  }
0x46: {  	_ =	shalt  }
0x47: {  	_ =	shalt  }
0x48: {  	_ =	shalt  }
0x49: {  	_ =	shalt  }
0x4a: {  	_ =	shalt  }
0x4b: {  	_ =	shalt  }
0x4c: {  	_ =	shalt  }
0x4d: {  	_ =	shalt  }
0x4e: {  	_ =	shalt  }
0x4f: {  	_ =	shalt  }
0x50: {  	_ =	shalt  }
0x51: {  	_ =	shalt  }
0x52: {  	_ =	shalt  }
0x53: {  	_ =	shalt  }
0x54: {  	_ =	shalt  }
0x55: {  	_ =	shalt  }
0x56: {  	_ =	shalt  }
0x57: {  	_ =	shalt  }
0x58: {  	_ =	shalt  }
0x59: {  	_ =	shalt  }
0x5a: {  	_ =	shalt  }
0x5b: {  	_ =	shalt  }
0x5c: {  	_ =	shalt  }
0x5d: {  	_ =	shalt  }
0x5e: {  	_ =	shalt  }
0x5f: {  	_ =	shalt  }
0x60: {  	_ =	shalt  }
0x61: {  	_ =	shalt  }
0x62: {  	_ =	shalt  }
0x63: {  	_ =	shalt  }
0x64: {  	_ =	shalt  }
0x65: {  	_ =	shalt  }
0x66: {  	_ =	shalt  }
0x67: {  	_ =	shalt  }
0x68: {  	_ =	shalt  }
0x69: {  	_ =	shalt  }
0x6a: {  	_ =	shalt  }
0x6b: {  	_ =	shalt  }
0x6c: {  	_ =	shalt  }
0x6d: {  	_ =	shalt  }
0x6e: {  	_ =	shalt  }
0x6f: {  	_ =	shalt  }
0x70: {  	_ =	shalt  }
0x71: {  	_ =	shalt  }
0x72: {  	_ =	shalt  }
0x73: {  	_ =	shalt  }
0x74: {  	_ =	shalt  }
0x75: {  	_ =	shalt  }
0x76: {  	_ =	shalt  }
0x77: {  	_ =	shalt  }
0x78: {  	_ =	shalt  }
0x79: {  	_ =	shalt  }
0x7a: {  	_ =	shalt  }
0x7b: {  	_ =	shalt  }
0x7c: {  	_ =	shalt  }
0x7d: {  	_ =	shalt  }
0x7e: {  	_ =	shalt  }
0x7f: {  	_ =	shalt  }
0x80: {  	_ =	shalt  }
0x81: {  	_ =	shalt  }
0x82: {  	_ =	shalt  }
0x83: {  	_ =	shalt  }
0x84: {  	_ =	shalt  }
0x85: {  	_ =	shalt  }
0x86: {  	_ =	shalt  }
0x87: {  	_ =	shalt  }
.Lfunc_end0:
.L_simem_size_0:
called_computation_lowered:
.L_overlay_start_0:
0x88: {  	s2 =	sld [smem:$0x3FD9]  }
0x89: {  	s3 =	sld [smem:$0x3FFE];
	_ =	sdelay $0x1  }
0x8a: {  	s1 =	srdreg.scid  }
0x8b: {  	s0 =	sand.u32 $0x1, s1  }
0x8c: {  	s18 =	sshll.u32 s0, $0xA;
	s2 =	sadd.s32 s3, s2  }
0x8d: {  	s2 =	sadd.s32 s2, s18  }
0x8e: {  	[smem:$0x3FC4] =	sst s2  }
0x8f: {  	_ = 	snop  }
0x90: {  	s2 =	sld [smem:$0x3FC9]  }
0x91: {  	s19 =	sld [smem:$0x3FC8]  }
0x92: {  	s4 =	sld [smem:$0x3FC7]  }
0x93: {  	s5 =	sld [smem:$0x3FC6]  }
0x94: {  	s6 =	sld [smem:$0x3FD0];
	(tm) =	ssettm $0x1  }
0x95: {  	s7 =	sld [smem:$0x3FFB];
	_ =	sdelay $0x3  }
0x96: {  	_ =	strace s7  }
0x97: {  	s7 =	sld [smem:$0x3FFC];
	_ =	sdelay $0x3  }
0x98: {  	_ =	strace s7  }
0x99: {  	s7 =	sld [smem:$0x3FFD];
	_ =	sdelay $0x3  }
0x9a: {  	_ =	strace s7  }
0x9b: {  	_ =	strace $0x8FFFFFFF  }
0x9c: {  	s20 =	sld [smem:$0x3FDB];
	_ =	sdelay $0x1  }
0x9d: {  	s8 =	simm.s32 $_scs_section_size  }
0x9e: {  	s9 =	simm.s32 $_size__tile_overlayer_lowered;
	s10 =	simm.s32 $_tile_overlayer_lowered  }
0x9f: {  	s23 =	simm.s32 $0x1BFF;
	s22 =	sshll.u32 s10, $0x1;
	s7 =	sadd.s32 s8, s20  }
0xa0: {  	s11 =	simm.s32 $0x0;
	s21 =	sshll.u32 s9, $0x1;
	s9 =	sadd.s32 s22, s7  }
0xa1: {  	[timem:s11], [sflag:s23] =	dma.local [hbm:s9], s21  }
0xa2: {  	_ =	swait.ge [sflag:s23], s21  }
0xa3: {  	s8 =	ssub.s32 $0x0, s21;
	[sflag:s23] =	ssyncset.done $0x0  }
0xa4: {  	[sflag:s23] =	ssyncadd.s32 s8;
	_ =	sdelay $0x1  }
0xa5: {  	s24 =	simm.s32 $0x1B8B  }
0xa6: {  	_ =	swait.ge [sflag:s24], $0x1  }
0xa7: {  	[sflag:s24] =	ssyncset.done $0x0  }
0xa8: {  	s25 =	simm.s32 $0x1B8E;
	[sflag:s24] =	ssyncadd.s32 $0xFFFFFFFF  }
0xa9: {  	s26 =	simm.s32 $execute0_lowered;
	[smem:$0x3FD2] =	sst s25  }
0xaa: {  	s8 =	sshll.u32 s26, $0x1;
	_ =	strace $0x80000046;
	[dreg:$0x1] =	wrdreg $0xFFFFFFFF  }
0xab: {  	s28 =	simm.s32 $_size_execute0_lowered;
	s7 =	sadd.s32 s7, s8;
	[dreg:$0x0] =	wrdreg $0x0  }
0xac: {  	s8 =	sshll.u32 s28, $0x1;
	[dreg:$0x2] =	wrdreg s7  }
0xad: {  	[dreg:$0x3] =	wrdreg s8  }
0xae: {  	[dreg:$0x4] =	wrdreg $0xC0  }
0xaf: {  	_ =	task [dreg:s11], $0x5FFFF  }
0xb0: {  	[dreg:$0x1] =	wrdreg $0xFFFFFFFF  }
0xb1: {  	[dreg:$0x0] =	wrdreg $0x60  }
0xb2: {  	[dreg:$0x2] =	wrdreg s2  }
0xb3: {  	[dreg:$0x3] =	wrdreg s19  }
0xb4: {  	[dreg:$0x4] =	wrdreg s4  }
0xb5: {  	[dreg:$0x5] =	wrdreg s5  }
0xb6: {  	[dreg:$0x6] =	wrdreg s6  }
0xb7: {  	[dreg:$0x7] =	wrdreg $0x9  }
0xb8: {  	_ =	task.clear_ibuf [dreg:s11], $0x8FFFF;
	_ =	strace $0x90000046  }
0xb9: {  	s29 =	simm.s32 $0x9;
	_ =	strace $0x80000048  }
0xba: {  	_ =	swait.ge [sflag:s29], $0x1  }
0xbb: {  	[sflag:s29] =	ssyncadd.s32 $0xFFFFFFFF  }
0xbc: {  	_ =	strace $0x90000048  }
0xbd: {  	_ =	sfence  }
0xbe: {  	s30 =	sld [smem:$0x0];
	_ =	sdelay $0x2  }
0xbf: {  	s31 =	sshll.u32 s1, $0xD;
	s1 =	sshrl.u32 s1, $0x2  }
0xc0: {  	s3 =	sand.u32 $0x4000, s31;
	s1 =	sadd.s32 s1, s30  }
0xc1: {  	s0 =	sor.u32 s3, s0;
	s1 =	sshll.u32 s1, $0x11  }
0xc2: {  	s0 =	sor.u32 s1, s0  }
0xc3: {  	s0 =	sadd.s32 $0x8F2B, s0  }
0xc4: {  	[sflag:s0] =	ssyncadd.remote.s32 $0x1  }
0xc5: {  	_ =	sfence.sel $0xFFFF  }
0xc6: {  	[dreg:$0x0] =	wrdreg $0xFFFFFFFF;
	(pc) =	sbr.abs _section_cstart, $3  }
0xc7: {  	[dreg:$0x1] =	wrdreg $0xFFFFFFFF  }
0xc8: {  	_ =	task.clear_ibuf [dreg:s11], $0x2FFFF;
	_ =	strace $0x9FFFFFFF  }
0xc9: {  	(tm) =	ssettm $0x7FFFFFFF  }
tec
execute0_lowered:
.L_overlay_start_1:
0x0: {  	(tag) =	ssettag $0x1  }
0x1: {  	s0 =	rddreg [dreg:$0x0]  }
0x2: {  	s3 =	rddreg [dreg:$0x1]  }
0x3: {  	s1 =	rddreg [dreg:$0x2]  }
0x4: {  	s2 =	rddreg [dreg:$0x3]  }
0x5: {  	s9 =	rddreg [dreg:$0x4]  }
0x6: {  	s5 =	srdreg.scid;
	s4 =	simm.s32 $0x0;
	s7 =	stileid.u32  }
0x7: {  	s14 =	simm.s32 $0x3;
	s16 =	simm.s32 $0x4;
	s18 =	simm.s32 $0x10280  }
0x8: {  	s19 =	simm.s32 $0x100;
	s20 =	simm.s32 $0x10300;
	s21 =	simm.s32 $0x180  }
0x9: {  	s22 =	simm.s32 $0x10380;
	s23 =	simm.s32 $0xC200;
	s24 =	simm.s32 $0x10400  }
0xa: {  	s25 =	simm.s32 $0x5;
	s26 =	simm.s32 $0x6;
	s5 =	sand.u32 $0x1, s5  }
0xb: {  	s28 =	simm.s32 $0x0;
	s7 =	sshll.u32 s7, $0x9;
	s6 =	sshll.u32 s5, $0xD  }
0xc: {  	[smem:$0x7FF] =	sst s4;
	s5 =	ssub.s32 $0x2, s5;
	s7 =	sor.u32 s7, s6  }
0xd: {  	vm0 =	vcmask $0x3F3C;
	_ =	strace $0x80000047;
	s29 =	sshrl.u32 s5, $0x1;
	s10 =	sshrl.u32 s7, $0x3  }
0xe: {  	s8 =	sor.u32 $0x80, s7;
	s11 =	ssub.s32 s5, s29;
	s31 =	sshll.u32 s7, $0x4  }
0xf: {  	s5 =	sadd.s32 s3, s10;
	s30 =	sshrl.u32 s8, $0x3;
	s8 =	sshll.u32 s8, $0x4  }
0x10: {  	s7 =	sadd.s32 s0, s31;
	s9 =	sadd.s32 s9, s10;
	s10 =	smax.u32 s11, $0x1  }
0x11: {  	s11 =	simm.s32 $0x80;
	s6 =	sadd.s32 s3, s30;
	s8 =	sadd.s32 s0, s8  }
.LBB2_1:
0x12: {  	[tilespmem:s4], [sflag:$0x3] =	stream.linear.gather [hbm4b:s5+s4], $0x80, $0x38;
	[tilespmem:$0x10600] =	vst v63  }
0x13: {  	_ = 	snop  }
0x14: {  	[tilespmem:s11], [sflag:$0x4] =	stream.linear.gather [hbm4b:s6+s4], $0x180, $0x38;
	[tilespmem:$0x10600] =	vst v63  }
0x15: {  	s0 =	simm.s32 $0x200  }
0x16: {  	[tilespmem:s0], [sflag:$0x1] =	stream.linear.gather [hbm4b:s7+s4], $0x4000, $0x38;
	[tilespmem:$0x10600] =	vst v63  }
0x17: {  	s17 =	simm.s32 $0x4200  }
0x18: {  	[tilespmem:s17], [sflag:$0x2] =	stream.linear.gather [hbm4b:s8+s4], $0x4000, $0x38;
	[tilespmem:$0x10600] =	vst v63  }
0x19: {  	_ =	swait.ge [sflag:s14], $0x80  }
0x1a: {  	[sflag:s14] =	ssyncset.done $0x0  }
0x1b: {  	s29 =	simm.s32 $0x8200;
	[sflag:s14] =	ssyncadd.s32 $0xFFFFFF80  }
0x1c: {  	[tilespmem:s29], [sflag:$0x3] =	stream.indirect.gather [hbm4b:s1+s11], $0x80, s4, s11, $0xb8;
	[tilespmem:$0x10600] =	vst v63  }
0x1d: {  	_ =	swait.ge [sflag:s16], $0x180  }
0x1e: {  	[sflag:s16] =	ssyncset.done $0x0  }
0x1f: {  	s31 =	simm.s32 $0x10200;
	[sflag:s16] =	ssyncadd.s32 $0xFFFFFE80  }
0x20: {  	[tilespmem:s31], [sflag:$0x5] =	stream.indirect.gather [hbm4b:s2+s11], $0x1, s4, s11, $0xb8;
	[tilespmem:$0x10600] =	vst v63  }
0x21: {  	_ = 	snop  }
0x22: {  	[tilespmem:s18], [sflag:$0x5] =	stream.indirect.gather [hbm4b:s2+s11], $0x1, s11, s11, $0xb8;
	[tilespmem:$0x10600] =	vst v63  }
0x23: {  	_ = 	snop  }
0x24: {  	[tilespmem:s20], [sflag:$0x5] =	stream.indirect.gather [hbm4b:s2+s11], $0x1, s19, s11, $0xb8;
	[tilespmem:$0x10600] =	vst v63  }
0x25: {  	_ = 	snop  }
0x26: {  	[tilespmem:s22], [sflag:$0x5] =	stream.indirect.gather [hbm4b:s2+s11], $0x1, s21, s11, $0xb8;
	[tilespmem:$0x10600] =	vst v63  }
0x27: {  	p0 =	por $0x0, $0x0;
	s15 =	simm.s32 $0x0;
	s30 =	simm.s32 $0x0  }
0x28: {  	[tilespmem:s23], [sflag:$0x4] =	stream.indirect.gather [hbm4b:s1+s11], $0x80, s11, s11, $0xb8;
	[tilespmem:$0x10600] =	vst v63  }
.LBB2_2:
0x29: {  	s0 =	simm.s32 $0x1  }
0x2a: {  	s3 =	sand.u32 $0x1, s30;
	s0 =	simm.s32 @!p0 $0x0  }
0x2b: {  	s31 =	sadd.s32 $0x1, s3;
	s0 =	sshll.u32 s0, $0xE  }
0x2c: {  	_ =	swait.ge [sflag:s31], $0x4000;
	s12 =	sor.u32 $0x240, s0  }
0x2d: {  	s13 =	sor.u32 $0x8240, s0;
	[sflag:s31] =	ssyncset.done $0x0;
	v0 =	vmov s12  }
0x2e: {  	s0 =	sadd.s32 $0x3, s3;
	[sflag:s31] =	ssyncadd.s32 $0xFFFFC000;
	v1 =	vmov s13  }
0x2f: {  	_ =	swait.ge [sflag:s0], $0x4000  }
0x30: {  	[sflag:s0] =	ssyncset.done $0x0  }
0x31: {  	s13 =	simm.s32 $0x0;
	[sflag:s0] =	ssyncadd.s32 $0xFFFFC000  }
0x32: {  	v2 =	vld.idx.msk [tilespmem:v0+s13+$0xFFFFFFC0 ss:$0x1], $0xffff  }
0x33: {  	v3 =	vld.idx.msk [tilespmem:v1+s13+$0xFFFFFFC0 ss:$0x1], $0xffff  }
0x34: {  	v4 =	vld.idx.msk [tilespmem:v0+s13+$0xFFFFFFD0 ss:$0x1], $0xffff  }
0x35: {  	v5 =	vld.idx.msk [tilespmem:v1+s13+$0xFFFFFFD0 ss:$0x1], $0xffff  }
0x36: {  	v6 =	vld.idx.msk [tilespmem:v0+s13+$0xFFFFFFE0 ss:$0x1], $0xffff  }
0x37: {  	v7 =	vld.idx.msk [tilespmem:v1+s13+$0xFFFFFFE0 ss:$0x1], $0xffff  }
0x38: {  	v8 =	vld.idx.msk [tilespmem:v0+s13+$0xFFFFFFF0 ss:$0x1], $0xffff  }
0x39: {  	v9 =	vld.idx.msk [tilespmem:v1+s13+$0xFFFFFFF0 ss:$0x1], $0xffff  }
0x3a: {  	v10 =	vld.idx.msk [tilespmem:v0+s13+$0x0 ss:$0x1], $0xffff  }
0x3b: {  	v11 =	vld.idx.msk [tilespmem:v1+s13+$0x0 ss:$0x1], $0xffff  }
0x3c: {  	v12 =	vld.idx.msk [tilespmem:v0+s13+$0x10 ss:$0x1], $0xffff  }
0x3d: {  	v13 =	vld.idx.msk [tilespmem:v1+s13+$0x10 ss:$0x1], $0xffff  }
0x3e: {  	v14 =	vld.idx.msk [tilespmem:v0+s13+$0x20 ss:$0x1], $0xffff;
	v2 =	vmul.f32 v3, v2;
	v3 =	vmul.f32 v5, v4  }
0x3f: {  	v15 =	vld.idx.msk [tilespmem:v1+s13+$0x20 ss:$0x1], $0xffff  }
0x40: {  	v16 =	vld.idx.msk [tilespmem:v0+s13+$0x30 ss:$0x1], $0xffff;
	v2 =	vadd.f32 v3, v2;
	v3 =	vmul.f32 v7, v6  }
0x41: {  	s17 =	simm.s32 $0x80;
	v17 =	vld.idx.msk [tilespmem:v1+s13+$0x30 ss:$0x1], $0xffff  }
0x42: {  	v5 =	vld.idx.msk [tilespmem:v0+s17+$0xFFFFFFD0 ss:$0x1], $0xffff;
	v2 =	vadd.f32 v3, v2;
	v3 =	vmul.f32 v9, v8  }
0x43: {  	v6 =	vld.idx.msk [tilespmem:v1+s17+$0xFFFFFFD0 ss:$0x1], $0xffff  }
0x44: {  	v7 =	vld.idx.msk [tilespmem:v0+s17+$0xFFFFFFE0 ss:$0x1], $0xffff;
	v2 =	vadd.f32 v3, v2;
	v3 =	vmul.f32 v11, v10  }
0x45: {  	v8 =	vld.idx.msk [tilespmem:v1+s17+$0xFFFFFFE0 ss:$0x1], $0xffff  }
0x46: {  	v2 =	vadd.f32 v3, v2;
	v3 =	vmul.f32 v13, v12;
	_ =	sdelay $0x1  }
0x47: {  	v18 =	vld.idx.msk [tilespmem:v0+s17+$0xFFFFFFC0 ss:$0x1], $0xffff;
	v5 =	vmul.f32 v6, v5;
	v6 =	vmul.f32 v15, v14;
	v3 =	vadd.f32 v3, v2  }
0x48: {  	v4 =	vld.idx.msk [tilespmem:v1+s17+$0xFFFFFFC0 ss:$0x1], $0xffff  }
0x49: {  	v7 =	vmul.f32 v8, v7;
	v8 =	vmul.f32 v17, v16;
	v6 =	vadd.f32 v6, v3  }
0x4a: {  	v61 =	vld.idx.msk [tilespmem:v1+s17+$0x0 ss:$0x1], $0xffff  }
0x4b: {  	v9 =	vld.idx.msk [tilespmem:v0+s17+$0xFFFFFFF0 ss:$0x1], $0xffff;
	v6 =	vadd.f32 v8, v6  }
0x4c: {  	v10 =	vld.idx.msk [tilespmem:v1+s17+$0xFFFFFFF0 ss:$0x1], $0xffff  }
0x4d: {  	v62 =	vld.idx.msk [tilespmem:v0+s17+$0x10 ss:$0x1], $0xffff;
	v4 =	vmul.f32 v4, v18;
	(xrf2) =	vadd.scan.msk.f32 $0xffff, v6  }
0x4e: {  	v11 =	vld.idx.msk [tilespmem:v0+s17+$0x0 ss:$0x1], $0xffff  }
0x4f: {  	v63 =	vld.idx.msk [tilespmem:v1+s17+$0x10 ss:$0x1], $0xffff;
	v5 =	vadd.f32 v5, v4  }
0x50: {  	v4 =	vld.idx.msk [tilespmem:v1+s17+$0x20 ss:$0x1], $0xffff  }
0x51: {  	v2 =	vld.idx.msk [tilespmem:v0+s17+$0x20 ss:$0x1], $0xffff;
	v7 =	vadd.f32 v7, v5;
	v9 =	vmul.f32 v10, v9  }
0x52: {  	s13 =	simm.s32 $0x100;
	v5 =	vld.idx.msk [tilespmem:v1+s17+$0x30 ss:$0x1], $0xffff  }
0x53: {  	v10 =	vmul.f32 v61, v11;
	v11 =	vld.idx.msk [tilespmem:v0+s13+$0xFFFFFFD0 ss:$0x1], $0xffff;
	v9 =	vadd.f32 v9, v7;
	v6 =	vmov s15  }
0x54: {  	v3 =	vld.idx.msk [tilespmem:v0+s17+$0x30 ss:$0x1], $0xffff  }
0x55: {  	s29 =	smov.u32 s15;
	s3 =	sshll.u32 s3, $0xE;
	v7 =	vld.idx.msk [tilespmem:v0+s13+$0xFFFFFFC0 ss:$0x1], $0xffff;
	v9 =	vadd.f32 v10, v9;
	v10 =	vmul.f32 v63, v62  }
0x56: {  	s12 =	sor.u32 $0x200, s3;
	s3 =	sor.u32 $0x8200, s3;
	s17 =	simm.s32 $0x600;
	v8 =	vld.idx.msk [tilespmem:v1+s13+$0xFFFFFFC0 ss:$0x1], $0xffff  }
.LBB2_3:
0x57: {  	p1 =	sne.s32 s17, $0xFE00;
	v12 =	vld.idx.msk [tilespmem:v1+s13+$0xFFFFFFD0 ss:$0x1], $0xffff;
	v9 =	vadd.f32 v10, v9;
	v2 =	vmul.f32 v4, v2;
	v4, _, _ =	vpop (xrf2)  }
0x58: {  	v10 =	vld.idx.msk [tilespmem:v0+s13+$0xFFFFFFE0 ss:$0x1], $0xffff;
	[tilespmem:v6+s24+$0x0] =	vst.idx.msk vm0, v4  }
0x59: {  	v3 =	vmul.f32 v5, v3;
	v4 =	vld.idx.msk [tilespmem:v1+s13+$0xFFFFFFE0 ss:$0x1], $0xffff;
	v2 =	vadd.f32 v2, v9  }
0x5a: {  	v5 =	vld.idx.msk [tilespmem:v0+s13+$0xFFFFFFF0 ss:$0x1], $0xffff  }
0x5b: {  	v6 =	vld.idx.msk [tilespmem:v1+s13+$0xFFFFFFF0 ss:$0x1], $0xffff;
	v2 =	vadd.f32 v3, v2  }
0x5c: {  	v9 =	vld.idx.msk [tilespmem:v0+s13+$0x0 ss:$0x1], $0xffff  }
0x5d: {  	v3 =	vmul.f32 v8, v7;
	v7 =	vmul.f32 v12, v11;
	v8 =	vld.idx.msk [tilespmem:v1+s13+$0x0 ss:$0x1], $0xffff;
	(xrf2) =	vadd.scan.msk.f32 $0xffff, v2  }
0x5e: {  	v11 =	vld.idx.msk [tilespmem:v0+s13+$0x10 ss:$0x1], $0xffff  }
0x5f: {  	v3 =	vadd.f32 v7, v3;
	v4 =	vmul.f32 v4, v10;
	v10 =	vld.idx.msk [tilespmem:v1+s13+$0x10 ss:$0x1], $0xffff  }
0x60: {  	v2 =	vld.idx.msk [tilespmem:v0+s13+$0x20 ss:$0x1], $0xffff  }
0x61: {  	v7 =	vadd.f32 v4, v3;
	v5 =	vmul.f32 v6, v5;
	v4 =	vld.idx.msk [tilespmem:v1+s13+$0x20 ss:$0x1], $0xffff  }
.Ltmp0:
0x62: {  	s29 =	sadd.s32 $0x1, s29;
	v3 =	vld.idx.msk [tilespmem:v0+s13+$0x30 ss:$0x1], $0xffff;
	(pc) =	sbr.rel @p1 .LBB2_3-.Ltmp0, $4  }
0x63: {  	v6 =	vmov s29;
	v12 =	vadd.f32 v5, v7;
	v9 =	vmul.f32 v8, v9;
	v5 =	vld.idx.msk [tilespmem:v1+s13+$0x30 ss:$0x1], $0xffff;
	s13 =	sshra.s32 s17, $0x2  }
0x64: {  	v7 =	vld.idx.msk [tilespmem:v0+s13+$0xFFFFFFC0 ss:$0x1], $0xffff  }
0x65: {  	v9 =	vadd.f32 v9, v12;
	v10 =	vmul.f32 v10, v11;
	v8 =	vld.idx.msk [tilespmem:v1+s13+$0xFFFFFFC0 ss:$0x1], $0xffff  }
0x66: {  	s17 =	sadd.s32 $0x200, s17;
	v11 =	vld.idx.msk [tilespmem:v0+s13+$0xFFFFFFD0 ss:$0x1], $0xffff  }
0x67: {  	_ =	sdelay $0x3  }
0x68: {  	v12 =	vld.idx.msk [tilespmem:v1+s13+$0xFFFFFFD0 ss:$0x1], $0xffff  }
0x69: {  	v13 =	vld.idx.msk [tilespmem:v0+s13+$0xFFFFFFE0 ss:$0x1], $0xffff  }
0x6a: {  	v14 =	vld.idx.msk [tilespmem:v1+s13+$0xFFFFFFE0 ss:$0x1], $0xffff  }
0x6b: {  	v15 =	vld.idx.msk [tilespmem:v0+s13+$0xFFFFFFF0 ss:$0x1], $0xffff  }
0x6c: {  	v16 =	vld.idx.msk [tilespmem:v1+s13+$0xFFFFFFF0 ss:$0x1], $0xffff  }
0x6d: {  	v47 =	vld.idx.msk [tilespmem:v0+s13+$0x0 ss:$0x1], $0xffff;
	v7 =	vmul.f32 v8, v7;
	v11 =	vmul.f32 v12, v11  }
0x6e: {  	v48 =	vld.idx.msk [tilespmem:v1+s13+$0x0 ss:$0x1], $0xffff  }
0x6f: {  	v49 =	vld.idx.msk [tilespmem:v0+s13+$0x10 ss:$0x1], $0xffff;
	v13 =	vmul.f32 v14, v13;
	v7 =	vadd.f32 v11, v7  }
0x70: {  	v50 =	vld.idx.msk [tilespmem:v1+s13+$0x10 ss:$0x1], $0xffff  }
0x71: {  	v51 =	vld.idx.msk [tilespmem:v0+s13+$0x20 ss:$0x1], $0xffff;
	v15 =	vmul.f32 v16, v15;
	v7 =	vadd.f32 v13, v7  }
0x72: {  	v52 =	vld.idx.msk [tilespmem:v1+s13+$0x20 ss:$0x1], $0xffff  }
0x73: {  	v53 =	vld.idx.msk [tilespmem:v0+s13+$0x30 ss:$0x1], $0xffff;
	v8 =	vmul.f32 v48, v47;
	v7 =	vadd.f32 v15, v7  }
0x74: {  	v54 =	vld.idx.msk [tilespmem:v1+s13+$0x30 ss:$0x1], $0xffff  }
0x75: {  	v55 =	vmul.f32 v50, v49;
	v7 =	vadd.f32 v8, v7  }
0x76: {  	v9 =	vadd.f32 v10, v9;
	v2 =	vmul.f32 v4, v2  }
0x77: {  	v57 =	vmul.f32 v52, v51;
	v56 =	vadd.f32 v55, v7  }
0x78: {  	v3 =	vmul.f32 v5, v3;
	v2 =	vadd.f32 v2, v9  }
0x79: {  	v0 =	vmul.f32 v54, v53;
	v4 =	vadd.f32 v57, v56  }
0x7a: {  	v58 =	vadd.f32 v3, v2  }
0x7b: {  	v0 =	vadd.f32 v0, v4  }
0x7c: {  	(xrf2) =	vadd.scan.msk.f32 $0xffff, v58  }
0x7d: {  	(xrf2) =	vadd.scan.msk.f32 $0xffff, v0;
	_ =	sdelay $0x3  }
0x7e: {  	s29 =	sadd.s32 $0x1, s29  }
0x7f: {  	v59 =	vmov s29;
	s13 =	sadd.s32 $0x1, s29  }
0x80: {  	v60 =	vmov s13;
	_ =	sdelay $0x1  }
0x81: {  	v61, _, _ =	vpop (xrf2);
	p1 =	sgt.u32 s30, $0x1  }
0x82: {  	[tilespmem:v6+s24+$0x0] =	vst.idx.msk vm0, v61;
	s13 =	sor.u32 @!p1 $0x2, s30;
	v62, _, _ =	vpop (xrf2)  }
0x83: {  	s17 =	sshll.u32 @!p1 s13, $0xB;
	[tilespmem:v59+s24+$0x0] =	vst.idx.msk vm0, v62;
	v63, _, _ =	vpop (xrf2)  }
0x84: {  	s29 =	simm.s32 @!p1 $0x0;
	s17 =	sadd.s32 @!p1 s17, s7;
	[tilespmem:v60+s24+$0x0] =	vst.idx.msk vm0, v63  }
0x85: {  	[tilespmem:s12], [sflag:s31] =	stream.linear.gather @!p1 [hbm4b:s17+s29], $0x4000, $0x38;
	[tilespmem:$0x10600] =	vst v63  }
0x86: {  	s12 =	sshll.u32 @!p1 s13, $0x7  }
0x87: {  	s30 =	sadd.s32 $0x1, s30;
	s13 =	simm.s32 @!p1 $0x80;
	s12 =	sand.u32 @!p1 $0x3FFFFF80, s12  }
0x88: {  	[tilespmem:s3], [sflag:s0] =	stream.indirect.gather @!p1 [hbm4b:s1+s13], $0x80, s12, s13, $0xb8;
	[tilespmem:$0x10600] =	vst v63  }
0x89: {  	p1 =	sne.s32 s30, $0x4  }
.Ltmp1:
0x8a: {  	_ = 	snop;
	(pc) =	sbr.rel @p1 .LBB2_2-.Ltmp1, $2  }
0x8b: {  	_ =	sdelay $0x2  }
0x8c: {  	s15 =	sadd.s32 $0x80, s15;
	p0 =	por !p0, !p0  }
0x8d: {  	_ =	swait.ge [sflag:s25], $0x200  }
0x8e: {  	[sflag:s25] =	ssyncset.done $0x0  }
0x8f: {  	[sflag:s25] =	ssyncadd.s32 $0xFFFFFE00  }
0x90: {  	v0 =	vld [tilespmem:$0x10400]  }
0x91: {  	v1 =	vld [tilespmem:$0x10200]  }
0x92: {  	v2 =	vld [tilespmem:$0x10410]  }
0x93: {  	v3 =	vld [tilespmem:$0x10210]  }
0x94: {  	v4 =	vld [tilespmem:$0x10420]  }
0x95: {  	v5 =	vld [tilespmem:$0x10220]  }
0x96: {  	v6 =	vld [tilespmem:$0x10430]  }
0x97: {  	v7 =	vld [tilespmem:$0x10230]  }
0x98: {  	v8 =	vld [tilespmem:$0x10440]  }
0x99: {  	v9 =	vld [tilespmem:$0x10240]  }
0x9a: {  	v10 =	vld [tilespmem:$0x10450]  }
0x9b: {  	v11 =	vld [tilespmem:$0x10250]  }
0x9c: {  	v12 =	vld [tilespmem:$0x10460]  }
0x9d: {  	v13 =	vld [tilespmem:$0x10260]  }
0x9e: {  	v14 =	vld [tilespmem:$0x10470]  }
0x9f: {  	v15 =	vld [tilespmem:$0x10270]  }
0xa0: {  	v16 =	vld [tilespmem:$0x10480]  }
0xa1: {  	v17 =	vld [tilespmem:$0x10280]  }
0xa2: {  	v18 =	vld [tilespmem:$0x10490]  }
0xa3: {  	v19 =	vld [tilespmem:$0x10290]  }
0xa4: {  	v20 =	vld [tilespmem:$0x104A0]  }
0xa5: {  	v21 =	vld [tilespmem:$0x102A0]  }
0xa6: {  	v22 =	vld [tilespmem:$0x104B0]  }
0xa7: {  	v23 =	vld [tilespmem:$0x102B0]  }
0xa8: {  	v24 =	vld [tilespmem:$0x104C0]  }
0xa9: {  	v25 =	vld [tilespmem:$0x102C0]  }
0xaa: {  	v26 =	vld [tilespmem:$0x104D0]  }
0xab: {  	v27 =	vld [tilespmem:$0x102D0]  }
0xac: {  	v28 =	vld [tilespmem:$0x104E0]  }
0xad: {  	v29 =	vld [tilespmem:$0x102E0]  }
0xae: {  	v30 =	vld [tilespmem:$0x104F0]  }
0xaf: {  	v31 =	vld [tilespmem:$0x102F0]  }
0xb0: {  	v32 =	vld [tilespmem:$0x10500]  }
0xb1: {  	v33 =	vld [tilespmem:$0x10300]  }
0xb2: {  	v34 =	vld [tilespmem:$0x10510]  }
0xb3: {  	v35 =	vld [tilespmem:$0x10310]  }
0xb4: {  	v36 =	vld [tilespmem:$0x10520]  }
0xb5: {  	v46 =	vld [tilespmem:$0x10320];
	v0 =	vadd.f32 v1, v0  }
0xb6: {  	v47 =	vld [tilespmem:$0x10530];
	v2 =	vadd.f32 v3, v2  }
0xb7: {  	v49 =	vld [tilespmem:$0x10330];
	v48 =	vadd.f32 v5, v4;
	[tilespmem:$0x10400] =	vst v0  }
0xb8: {  	v51 =	vld [tilespmem:$0x10540];
	v50 =	vadd.f32 v7, v6;
	[tilespmem:$0x10410] =	vst v2  }
0xb9: {  	v53 =	vld [tilespmem:$0x10340];
	v52 =	vadd.f32 v9, v8;
	[tilespmem:$0x10420] =	vst v48  }
0xba: {  	v55 =	vld [tilespmem:$0x10550];
	v54 =	vadd.f32 v11, v10;
	[tilespmem:$0x10430] =	vst v50  }
0xbb: {  	v57 =	vld [tilespmem:$0x10350];
	v56 =	vadd.f32 v13, v12;
	[tilespmem:$0x10440] =	vst v52  }
0xbc: {  	v59 =	vld [tilespmem:$0x10560];
	v58 =	vadd.f32 v15, v14;
	[tilespmem:$0x10450] =	vst v54  }
0xbd: {  	v61 =	vld [tilespmem:$0x10360];
	v60 =	vadd.f32 v17, v16;
	[tilespmem:$0x10460] =	vst v56  }
0xbe: {  	v63 =	vld [tilespmem:$0x10570];
	v62 =	vadd.f32 v19, v18;
	[tilespmem:$0x10470] =	vst v58  }
0xbf: {  	v37 =	vld [tilespmem:$0x105A0];
	v20 =	vadd.f32 v21, v20;
	[tilespmem:$0x10480] =	vst v60  }
0xc0: {  	v39 =	vld [tilespmem:$0x103A0];
	v22 =	vadd.f32 v23, v22;
	[tilespmem:$0x10490] =	vst v62  }
0xc1: {  	v41 =	vld [tilespmem:$0x105B0];
	v24 =	vadd.f32 v25, v24;
	[tilespmem:$0x104A0] =	vst v20  }
0xc2: {  	v43 =	vld [tilespmem:$0x103B0];
	v26 =	vadd.f32 v27, v26;
	[tilespmem:$0x104B0] =	vst v22  }
0xc3: {  	v45 =	vld [tilespmem:$0x105C0];
	v28 =	vadd.f32 v29, v28;
	[tilespmem:$0x104C0] =	vst v24  }
0xc4: {  	v21 =	vld [tilespmem:$0x10370];
	v31 =	vadd.f32 v31, v30;
	[tilespmem:$0x104D0] =	vst v26  }
0xc5: {  	v23 =	vld [tilespmem:$0x10580];
	v38 =	vadd.f32 v33, v32;
	[tilespmem:$0x104E0] =	vst v28  }
0xc6: {  	v25 =	vld [tilespmem:$0x10380];
	v40 =	vadd.f32 v35, v34;
	[tilespmem:$0x104F0] =	vst v31  }
0xc7: {  	v27 =	vld [tilespmem:$0x10590];
	v42 =	vadd.f32 v46, v36;
	[tilespmem:$0x10500] =	vst v38  }
0xc8: {  	v29 =	vld [tilespmem:$0x10390];
	v44 =	vadd.f32 v49, v47;
	[tilespmem:$0x10510] =	vst v40  }
0xc9: {  	v46 =	vadd.f32 v53, v51;
	v47 =	vld [tilespmem:$0x103C0];
	[tilespmem:$0x10520] =	vst v42  }
0xca: {  	v49 =	vld [tilespmem:$0x105D0];
	v1 =	vadd.f32 v43, v41;
	[tilespmem:$0x10530] =	vst v44  }
0xcb: {  	v51 =	vld [tilespmem:$0x103D0];
	v48 =	vadd.f32 v57, v55;
	[tilespmem:$0x10540] =	vst v46  }
0xcc: {  	v53 =	vld [tilespmem:$0x105E0];
	v50 =	vadd.f32 v61, v59;
	[tilespmem:$0x105B0] =	vst v1  }
0xcd: {  	v55 =	vld [tilespmem:$0x103E0];
	v58 =	vadd.f32 v39, v37;
	[tilespmem:$0x10550] =	vst v48  }
0xce: {  	v57 =	vld [tilespmem:$0x105F0];
	[tilespmem:$0x10560] =	vst v50;
	v52 =	vadd.f32 v21, v63  }
0xcf: {  	v59 =	vld [tilespmem:$0x103F0];
	[tilespmem:$0x105A0] =	vst v58;
	v54 =	vadd.f32 v25, v23  }
0xd0: {  	v56 =	vadd.f32 v29, v27;
	[tilespmem:$0x10570] =	vst v52  }
0xd1: {  	v60 =	vadd.f32 v47, v45;
	[tilespmem:$0x10580] =	vst v54  }
0xd2: {  	v61 =	vadd.f32 v51, v49;
	[tilespmem:$0x10590] =	vst v56  }
0xd3: {  	[tilespmem:$0x105C0] =	vst v60;
	v62 =	vadd.f32 v55, v53  }
0xd4: {  	s28 =	sadd.s32 $0x1, s28;
	[tilespmem:$0x105D0] =	vst v61;
	v63 =	vadd.f32 v59, v57  }
0xd5: {  	p0 =	sne.s32 s28, s10;
	[tilespmem:$0x105E0] =	vst v62  }
.Ltmp2:
0xd6: {  	[tilespmem:$0x105F0] =	vst v63;
	(pc) =	sbr.rel @p0 .LBB2_1-.Ltmp2, $4  }
0xd7: {  	[hbm4b:s9+s4] =	stream.linear.scatter [tilespmem:s24], [sflag:$0x6], $0x200, $0x38;
	[tilespmem:$0x10600] =	vst v63  }
0xd8: {  	_ =	swait.ge [sflag:s26], $0x200  }
0xd9: {  	[sflag:s26] =	ssyncset.done $0x0  }
0xda: {  	[sflag:s26] =	ssyncadd.s32 $0xFFFFFE00  }
0xdb: {  	_ =	sfence.sel $0x180000  }
0xdc: {  	[bflag:$0x0] =	sbarrier.arrive $0xFFFF  }
0xdd: {  	_ =	strace $0x90000047  }
0xde: {  	s0 =	stileid.u32;
	[bflag:$0x2] =	sbarrier.arrive $0xFFFF  }
0xdf: {  	p0 =	sne.s32 s0, $0x0;
	s0 =	rddreg [dreg:$0x5]  }
0xe0: {  	s0 =	sadd.s32 @!p0 $0x100000, s0  }
0xe1: {  	[sflag:s0] =	ssyncadd.tile.s32 @!p0 $0x1;
	_ =	shalt  }
.Lfunc_end2:
_tile_overlayer_lowered:
.L_overlay_start_2:
0xe2: {  	(tag) =	ssettag $0x2  }
0xe3: {  	s0 =	rddreg [dreg:$0x0];
	s2 =	stileid.u32  }
0xe4: {  	s1 =	rddreg [dreg:$0x1];
	p0 =	sne.s32 s2, $0x0  }
0xe5: {  	s3 =	rddreg [dreg:$0x2];
	[bflag:$0x3] =	sbarrier.arrive $0xFFFF;
	s2 =	simm.s32 @!p0 $0x1C06  }
0xe6: {  	[timem:s3], [sflag:s2] =	dma.local @!p0 [hbm:s0], s1  }
0xe7: {  	s0 =	simm.s32 @!p0 $0x6  }
0xe8: {  	_ =	swait.ge @!p0 [sflag:s0], s1  }
0xe9: {  	s1 =	ssub.s32 @!p0 $0x0, s1;
	[sflag:s0] =	ssyncset.done @!p0 $0x0  }
0xea: {  	[sflag:s0] =	ssyncadd.s32 @!p0 s1  }
0xeb: {  	[bflag:$0x3] =	sbarrier.arrive $0xFFFF  }
0xec: {  	_ =	shalt  }

</sc_bundles>
